<compile_context>
chip_gen: v7x
topology: tpu7x:2x2x1
jax: 0.10.2.dev20260603
libtpu: 0.0.44.dev20260713+nightly
codegen_flags: <defaults>
</compile_context>

<pallas_src>
import functools

import jax
import jax.numpy as jnp
from jax import lax
from jax.experimental import pallas as pl
from jax.experimental.pallas import tpu as pltpu
from jax.experimental.pallas import tpu_sc as plsc

N = 10000
E = 160000
D_IN = 128
H = 2
D_OUT = 64
D_EDGE = 128
NUM_ETYPES = 8
NEG_SLOPE = 0.2

NC = 2
NS = 16
NW = NC * NS
CH = 128
EPAD = 163840
CPT = EPAD // (NW * CH)
EPT = EPAD // NW
DW = 144
ROWS_PT = N // NS
_DUMP = (128, 128, 128, 128, 113)

_BLK = 1000


def _prep_body(x_ref, wfc_ref, alr_ref, eet_ref, wfce_ref, ae_ref,
               hext_ref, nt_ref, ee_ref):
    h = jnp.dot(x_ref[...], wfc_ref[...], preferred_element_type=jnp.float32)
    nt = jnp.dot(h, alr_ref[...], preferred_element_type=jnp.float32)
    nt_ref[...] = nt
    hext_ref[:, 0:D_IN] = h
    li = lax.broadcasted_iota(jnp.int32, (_BLK, DW - D_IN), 1)
    pad = jnp.where(li < H, 1.0, 0.0)
    pad = jnp.where(li == 2, nt[:, 0:1], pad)
    pad = jnp.where(li == 3, nt[:, 1:2], pad)
    hext_ref[:, D_IN:DW] = pad

    @pl.when(pl.program_id(0) == 0)
    def _():
        ef = jnp.dot(eet_ref[...], wfce_ref[...],
                     preferred_element_type=jnp.float32)
        s = ef * ae_ref[...]
        e0 = jnp.sum(s[:, 0:D_EDGE], axis=1, keepdims=True)
        e1 = jnp.sum(s[:, D_EDGE:2 * D_EDGE], axis=1, keepdims=True)
        ee_ref[...] = jnp.concatenate([e0, e1], axis=1)


_prep = pl.pallas_call(
    _prep_body,
    grid=(N // _BLK,),
    in_specs=[
        pl.BlockSpec((_BLK, D_IN), lambda i: (i, 0)),
        pl.BlockSpec((D_IN, D_IN), lambda i: (0, 0)),
        pl.BlockSpec((D_IN, 8), lambda i: (0, 0)),
        pl.BlockSpec((NUM_ETYPES, D_EDGE), lambda i: (0, 0)),
        pl.BlockSpec((D_EDGE, H * D_EDGE), lambda i: (0, 0)),
        pl.BlockSpec((1, H * D_EDGE), lambda i: (0, 0)),
    ],
    out_specs=[
        pl.BlockSpec((_BLK, DW), lambda i: (i, 0)),
        pl.BlockSpec((_BLK, 8), lambda i: (i, 0)),
        pl.BlockSpec((NUM_ETYPES, H), lambda i: (0, 0)),
    ],
    out_shape=[
        jax.ShapeDtypeStruct((N, DW), jnp.float32),
        jax.ShapeDtypeStruct((N, 8), jnp.float32),
        jax.ShapeDtypeStruct((NUM_ETYPES, H), jnp.float32),
    ],
)


def _lrelu(v):
    return jnp.where(v > 0, v, NEG_SLOPE * v)


def _sc_body(hext_hbm, artab_hbm, ee_hbm, row_hbm, col_hbm, et_hbm,
             out_hbm, artab_v, ee_v, rowj_v, colj_v, etj_v, rows_v, w_v,
             acc_sh, sem):
    cid = lax.axis_index("c")
    sid = lax.axis_index("s")
    wid = sid * NC + cid

    pltpu.sync_copy(artab_hbm, artab_v)
    pltpu.sync_copy(ee_hbm, ee_v)

    zeros16 = jnp.zeros((16,), jnp.float32)
    lane = lax.iota(jnp.int32, 16)
    c130 = jnp.full((16,), 130, jnp.int32)
    c131 = jnp.full((16,), 131, jnp.int32)

    def _zrow(r, carry):
        for j in range(DW // 16):
            rows_v[r, pl.ds(j * 16, 16)] = zeros16
        return carry
    lax.fori_loop(0, CH, _zrow, 0)
    off = 0
    for nrows in _DUMP:
        pltpu.sync_copy(rows_v.at[pl.ds(0, nrows)],
                        acc_sh.at[pl.ds(sid * ROWS_PT + off, nrows)])
        off += nrows
    plsc.subcore_barrier()

    def _chunk(j, carry):
        pltpu.sync_copy(row_hbm.at[pl.ds(wid * CPT + j, 1)], rowj_v)
        pltpu.sync_copy(col_hbm.at[pl.ds(wid * CPT + j, 1)], colj_v)
        pltpu.sync_copy(et_hbm.at[pl.ds(wid * CPT + j, 1)], etj_v)
        pltpu.async_copy(hext_hbm.at[rowj_v.at[0]], rows_v, sem).wait()
        ebase = wid * EPT + j * CH

        for g in range(CH // 16):
            sl = pl.ds(g * 16, 16)
            c16 = colj_v[0, sl]
            t16 = etj_v[0, sl]
            rl = g * 16 + lane
            al0 = plsc.load_gather(rows_v, [rl, c130])
            al1 = plsc.load_gather(rows_v, [rl, c131])
            ar0 = plsc.load_gather(artab_v, [c16 * 2])
            ar1 = plsc.load_gather(artab_v, [c16 * 2 + 1])
            ee0 = plsc.load_gather(ee_v, [t16 * 2])
            ee1 = plsc.load_gather(ee_v, [t16 * 2 + 1])
            valid = (ebase + g * 16 + lane) < E
            w0 = jnp.exp(_lrelu(al0 + ar0 + ee0) - _lrelu(ar0))
            w1 = jnp.exp(_lrelu(al1 + ar1 + ee1) - _lrelu(ar1))
            w_v[0, sl] = jnp.where(valid, w0, 0.0)
            w_v[1, sl] = jnp.where(valid, w1, 0.0)

        def _scale(r, carry2):
            w0 = w_v[0, pl.ds(r, 16)][0]
            w1 = w_v[1, pl.ds(r, 16)][0]
            for jj in range(4):
                s2 = pl.ds(jj * 16, 16)
                rows_v[r, s2] = rows_v[r, s2] * w0
            for jj in range(4, 8):
                s2 = pl.ds(jj * 16, 16)
                rows_v[r, s2] = rows_v[r, s2] * w1
            wpad = jnp.where(lane == 0, w0, jnp.where(lane == 1, w1, 0.0))
            rows_v[r, pl.ds(D_IN, 16)] = wpad
            return carry2
        lax.fori_loop(0, CH, _scale, 0)

        pltpu.sync_copy(rows_v, acc_sh.at[colj_v.at[0]], add=True)
        return carry
    lax.fori_loop(0, CPT, _chunk, 0)

    plsc.subcore_barrier()
    off = 0
    for nrows in _DUMP:
        sl = pl.ds(sid * ROWS_PT + off, nrows)
        pltpu.sync_copy(acc_sh.at[sl], rows_v.at[pl.ds(0, nrows)])
        pltpu.sync_copy(rows_v.at[pl.ds(0, nrows)], out_hbm.at[cid].at[sl])
        off += nrows


@functools.cache
def _sc_edge():
    return functools.partial(
        pl.kernel,
        out_type=jax.ShapeDtypeStruct((NC, N, DW), jnp.float32),
        mesh=plsc.VectorSubcoreMesh(core_axis_name="c", subcore_axis_name="s",
                                    num_cores=NC, num_subcores=NS),
        compiler_params=pltpu.CompilerParams(
            needs_layout_passes=False, use_tc_tiling_on_sc=False),
        scratch_types=[
            pltpu.VMEM((2 * N,), jnp.float32),
            pltpu.VMEM((2 * NUM_ETYPES,), jnp.float32),
            pltpu.VMEM((1, CH), jnp.int32),
            pltpu.VMEM((1, CH), jnp.int32),
            pltpu.VMEM((1, CH), jnp.int32),
            pltpu.VMEM((CH, DW), jnp.float32),
            pltpu.VMEM((2, CH + 16), jnp.float32),
            pltpu.VMEM_SHARED((N, DW), jnp.float32),
            pltpu.SemaphoreType.DMA,
        ],
    )(_sc_body)


def _merge_body(acc_ref, out_ref):
    a = acc_ref[0] + acc_ref[1]
    num = a[:, 0:D_IN]
    d0 = a[:, D_IN:D_IN + 1]
    d1 = a[:, D_IN + 1:D_IN + 2]
    li = lax.broadcasted_iota(jnp.int32, (_BLK, D_IN), 1)
    den = jnp.where(li < D_OUT, d0, d1)
    y = num / (den + 1e-16)
    out_ref[...] = jnp.where(y > 0, y, jnp.exp(y) - 1.0)


_merge = pl.pallas_call(
    _merge_body,
    grid=(N // _BLK,),
    in_specs=[pl.BlockSpec((NC, _BLK, DW), lambda i: (0, i, 0))],
    out_specs=pl.BlockSpec((_BLK, D_IN), lambda i: (i, 0)),
    out_shape=jax.ShapeDtypeStruct((N, D_IN), jnp.float32),
)


def kernel(x, edge_index, edge_type, edge_emb_table, W_fc, W_fce,
           attn_l, attn_r, attn_e):
    alr = jnp.zeros((D_IN, 8), jnp.float32)
    alr = alr.at[0:D_OUT, 0].set(attn_l[0, 0])
    alr = alr.at[D_OUT:D_IN, 1].set(attn_l[0, 1])
    alr = alr.at[0:D_OUT, 2].set(attn_r[0, 0])
    alr = alr.at[D_OUT:D_IN, 3].set(attn_r[0, 1])
    ae = attn_e.reshape(1, H * D_EDGE)

    hext, nt8, ee = _prep(x, W_fc, alr, edge_emb_table, W_fce, ae)

    artab = nt8[:, 2:4].reshape(-1)
    ee_flat = ee.reshape(-1)
    pad = jnp.zeros((EPAD - E,), jnp.int32)
    rowp = jnp.concatenate([edge_index[0], pad]).reshape(-1, CH)
    colp = jnp.concatenate([edge_index[1], pad]).reshape(-1, CH)
    etp = jnp.concatenate([edge_type, pad]).reshape(-1, CH)

    acc = _sc_edge()(hext, artab, ee_flat, rowp, colp, etp)
    out = _merge(acc)
    return out.reshape(N, H, D_OUT)

# --- scband reference (transcript-rebuilt; emitter-appended) ---
"""Pipeline reference for scband-shgn-86947317941143 (READ-ONLY COPY).

The authoritative reference and input builder live on the scoring server;
editing this copy changes nothing except your own understanding.
"""

import jax, jax.numpy as jnp
import numpy as np

N = 10000
E = 160000
D_IN = 128
H = 2          # cfg.gnn.attn_heads
D_OUT = 64
D_EDGE = 128   # cfg.gnn.dim_inner -> edge_channels
NUM_ETYPES = 8
NEG_SLOPE = 0.2


def setup_inputs(seed: int = 0) -> dict:
    key = jax.random.key(seed)
    ks = jax.random.split(key, 9)
    x = jax.random.normal(ks[0], (N, D_IN), dtype=jnp.float32)
    edge_index = jax.random.randint(ks[1], (2, E), 0, N, dtype=jnp.int32)
    edge_type = jax.random.randint(ks[2], (E,), 0, NUM_ETYPES, dtype=jnp.int32)
    # learned parameters (xavier-ish scaling)
    edge_emb_table = jax.random.normal(ks[3], (NUM_ETYPES, D_EDGE), dtype=jnp.float32) * 0.1
    W_fc = jax.random.normal(ks[4], (D_IN, H * D_OUT), dtype=jnp.float32) * (2.0 / (D_IN + H * D_OUT)) ** 0.5
    W_fce = jax.random.normal(ks[5], (D_EDGE, H * D_EDGE), dtype=jnp.float32) * (2.0 / (D_EDGE + H * D_EDGE)) ** 0.5
    attn_l = jax.random.normal(ks[6], (1, H, D_OUT), dtype=jnp.float32) * (2.0 / (1 + D_OUT)) ** 0.5
    attn_r = jax.random.normal(ks[7], (1, H, D_OUT), dtype=jnp.float32) * (2.0 / (1 + D_OUT)) ** 0.5
    attn_e = jax.random.normal(ks[8], (1, H, D_EDGE), dtype=jnp.float32) * (2.0 / (1 + D_EDGE)) ** 0.5
    return {
        "x": x,
        "edge_index": edge_index,
        "edge_type": edge_type,
        "edge_emb_table": edge_emb_table,
        "W_fc": W_fc,
        "W_fce": W_fce,
        "attn_l": attn_l,
        "attn_r": attn_r,
        "attn_e": attn_e,
    }


def _leaky_relu(v):
    return jnp.where(v > 0, v, NEG_SLOPE * v)


def _elu(v):
    return jnp.where(v > 0, v, jnp.expm1(v))


def reference(x, edge_index, edge_type, edge_emb_table, W_fc, W_fce, attn_l, attn_r, attn_e):
    # feat_drop / attn_drop are identity in eval (dropout p treated as 0)
    h = (x @ W_fc).reshape(-1, H, D_OUT)                      # [N, H, D_OUT]
    e_emb = jnp.take(edge_emb_table, edge_type, axis=0)      # [E, D_EDGE] embedding gather
    e_feat = (e_emb @ W_fce).reshape(-1, H, D_EDGE)          # [E, H, D_EDGE]
    ee = jnp.sum(e_feat * attn_e, axis=-1, keepdims=True)    # [E, H, 1]
    row = edge_index[0]
    col = edge_index[1]
    alpha_l = jnp.sum(h[row] * attn_l, axis=-1, keepdims=True)  # [E, H, 1]
    alpha_r = jnp.sum(h[col] * attn_r, axis=-1, keepdims=True)  # [E, H, 1]
    alpha = _leaky_relu(alpha_l + alpha_r + ee)
    # segment softmax over incoming edges of each destination node (index = col)
    amax = jax.ops.segment_max(alpha, col, num_segments=N)
    amax = jnp.where(jnp.isfinite(amax), amax, 0.0)
    ex = jnp.exp(alpha - amax[col])
    denom = jax.ops.segment_sum(ex, col, num_segments=N)
    alpha_sm = ex / (denom[col] + 1e-16)
    # message = x_j * alpha ; aggregate = scatter-add onto destination nodes
    msg = h[row] * alpha_sm                                   # [E, H, D_OUT]
    out = jax.ops.segment_sum(msg, col, num_segments=N)       # [N, H, D_OUT]
    # residual=False, bias=False; activation = elu
    out = _elu(out)
    return out

if __name__ == "__main__":
    import jax
    _d = setup_inputs()
    print(jax.jit(kernel)(*tuple(_d.values())))

</pallas_src>

<mosaic_0001>
#map = affine_map<(d0, d1) -> (0, 0)>
#map1 = affine_map<(d0, d1) -> (0)>
#map2 = affine_map<(d0, d1) -> (0, 0, 0)>
module attributes {stable_mosaic.version = 14 : i64} {
  func.func @_sc_body(%arg0: i32, %arg1: i32, %arg2: memref<10000x144xf32, #tpu.memory_space<hbm>>, %arg3: memref<20000xf32, #tpu.memory_space<hbm>>, %arg4: memref<16xf32, #tpu.memory_space<hbm>>, %arg5: memref<1280x128xi32, #tpu.memory_space<hbm>>, %arg6: memref<1280x128xi32, #tpu.memory_space<hbm>>, %arg7: memref<1280x128xi32, #tpu.memory_space<hbm>>, %arg8: memref<2x10000x144xf32, #tpu.memory_space<hbm>>, %arg9: memref<20000xf32, #tpu.memory_space<vmem>>, %arg10: memref<16xf32, #tpu.memory_space<vmem>>, %arg11: memref<1x128xi32, #tpu.memory_space<vmem>>, %arg12: memref<1x128xi32, #tpu.memory_space<vmem>>, %arg13: memref<1x128xi32, #tpu.memory_space<vmem>>, %arg14: memref<128x144xf32, #tpu.memory_space<vmem>>, %arg15: memref<2x144xf32, #tpu.memory_space<vmem>>, %arg16: memref<10000x144xf32, #tpu.memory_space<vmem_shared>>, %arg17: memref<!tpu.dma_semaphore, #tpu.memory_space<semaphore_mem>>) attributes {dimension_semantics = [#tpu.dimension_semantics<core_parallel>, #tpu.dimension_semantics<subcore_parallel>], iteration_bounds = array<i64: 2, 16>, scalar_prefetch = 0 : i64, scratch_operands = 9 : i64, tpu.core_type = #tpu.core_type<sc_vector_subcore>, window_params = [{transform_indices = #map}, {transform_indices = #map1}, {transform_indices = #map1}, {transform_indices = #map}, {transform_indices = #map}, {transform_indices = #map}, {transform_indices = #map2}]} {
    %mul3A = arith.constant 2 : i32
    %mul3A_0 = arith.muli %arg1, %mul3A : i32
    %add3A = arith.addi %mul3A_0, %arg0 : i32
    "tpu.region"() ({
      %run_scoped3A = tpu.sem_alloc : memref<!tpu.dma_semaphore, #tpu.memory_space<semaphore_mem>>
      tpu.enqueue_dma source(%arg3 : memref<20000xf32, #tpu.memory_space<hbm>>) target(%arg9 : memref<20000xf32, #tpu.memory_space<vmem>>) target_semaphore(%run_scoped3A : memref<!tpu.dma_semaphore, #tpu.memory_space<semaphore_mem>>)
      tpu.wait_dma2 semaphore(%run_scoped3A : memref<!tpu.dma_semaphore, #tpu.memory_space<semaphore_mem>>) src(%arg3 : memref<20000xf32, #tpu.memory_space<hbm>>) dst(%arg9 : memref<20000xf32, #tpu.memory_space<vmem>>)
      tpu.yield
    }) : () -> ()
    "tpu.region"() ({
      %run_scoped3A = tpu.sem_alloc : memref<!tpu.dma_semaphore, #tpu.memory_space<semaphore_mem>>
      tpu.enqueue_dma source(%arg4 : memref<16xf32, #tpu.memory_space<hbm>>) target(%arg10 : memref<16xf32, #tpu.memory_space<vmem>>) target_semaphore(%run_scoped3A : memref<!tpu.dma_semaphore, #tpu.memory_space<semaphore_mem>>)
      tpu.wait_dma2 semaphore(%run_scoped3A : memref<!tpu.dma_semaphore, #tpu.memory_space<semaphore_mem>>) src(%arg4 : memref<16xf32, #tpu.memory_space<hbm>>) dst(%arg10 : memref<16xf32, #tpu.memory_space<vmem>>)
      tpu.yield
    }) : () -> ()
    %broadcast_in_dim3A = arith.constant 0.000000e+00 : f32
    %broadcast_in_dim3A_1 = vector.broadcast %broadcast_in_dim3A : f32 to vector<16xf32>
    %iota3A = tpu.iota {dimensions = array<i32: 0>} : vector<16xi32>
    %broadcast_in_dim3A_2 = arith.constant 130 : i32
    %broadcast_in_dim3A_3 = vector.broadcast %broadcast_in_dim3A_2 : i32 to vector<16xi32>
    %broadcast_in_dim3A_4 = arith.constant 131 : i32
    %broadcast_in_dim3A_5 = vector.broadcast %broadcast_in_dim3A_4 : i32 to vector<16xi32>
    %scan3A = arith.constant 0 : i32
    %scan3A_6 = arith.constant 0 : i32
    %scan3A_7 = arith.constant 128 : i32
    %scan3A_8 = arith.addi %scan3A_6, %scan3A_7 : i32
    %scan3A_9 = arith.constant 1 : i32
    scf.for %scan3A_58 = %scan3A_6 to %scan3A_8 step %scan3A_9  : i32 {
      %swap3A = arith.index_cast %scan3A_58 : i32 to index
      %swap3A_59 = arith.constant 0 : index
      %swap3A_60 = tpu.vector_load %arg14[%swap3A, %swap3A_59] {strides = array<i32>} : memref<128x144xf32, #tpu.memory_space<vmem>>, vector<16xf32>,
      tpu.vector_store %arg14[%swap3A, %swap3A_59], %broadcast_in_dim3A_1 {strides = array<i32>} : memref<128x144xf32, #tpu.memory_space<vmem>>, vector<16xf32>,
      %swap3A_61 = arith.index_cast %scan3A_58 : i32 to index
      %swap3A_62 = arith.constant 16 : index
      %swap3A_63 = tpu.vector_load %arg14[%swap3A_61, %swap3A_62] {strides = array<i32>} : memref<128x144xf32, #tpu.memory_space<vmem>>, vector<16xf32>,
      tpu.vector_store %arg14[%swap3A_61, %swap3A_62], %broadcast_in_dim3A_1 {strides = array<i32>} : memref<128x144xf32, #tpu.memory_space<vmem>>, vector<16xf32>,
      %swap3A_64 = arith.index_cast %scan3A_58 : i32 to index
      %swap3A_65 = arith.constant 32 : index
      %swap3A_66 = tpu.vector_load %arg14[%swap3A_64, %swap3A_65] {strides = array<i32>} : memref<128x144xf32, #tpu.memory_space<vmem>>, vector<16xf32>,
      tpu.vector_store %arg14[%swap3A_64, %swap3A_65], %broadcast_in_dim3A_1 {strides = array<i32>} : memref<128x144xf32, #tpu.memory_space<vmem>>, vector<16xf32>,
      %swap3A_67 = arith.index_cast %scan3A_58 : i32 to index
      %swap3A_68 = arith.constant 48 : index
      %swap3A_69 = tpu.vector_load %arg14[%swap3A_67, %swap3A_68] {strides = array<i32>} : memref<128x144xf32, #tpu.memory_space<vmem>>, vector<16xf32>,
      tpu.vector_store %arg14[%swap3A_67, %swap3A_68], %broadcast_in_dim3A_1 {strides = array<i32>} : memref<128x144xf32, #tpu.memory_space<vmem>>, vector<16xf32>,
      %swap3A_70 = arith.index_cast %scan3A_58 : i32 to index
      %swap3A_71 = arith.constant 64 : index
      %swap3A_72 = tpu.vector_load %arg14[%swap3A_70, %swap3A_71] {strides = array<i32>} : memref<128x144xf32, #tpu.memory_space<vmem>>, vector<16xf32>,
      tpu.vector_store %arg14[%swap3A_70, %swap3A_71], %broadcast_in_dim3A_1 {strides = array<i32>} : memref<128x144xf32, #tpu.memory_space<vmem>>, vector<16xf32>,
      %swap3A_73 = arith.index_cast %scan3A_58 : i32 to index
      %swap3A_74 = arith.constant 80 : index
      %swap3A_75 = tpu.vector_load %arg14[%swap3A_73, %swap3A_74] {strides = array<i32>} : memref<128x144xf32, #tpu.memory_space<vmem>>, vector<16xf32>,
      tpu.vector_store %arg14[%swap3A_73, %swap3A_74], %broadcast_in_dim3A_1 {strides = array<i32>} : memref<128x144xf32, #tpu.memory_space<vmem>>, vector<16xf32>,
      %swap3A_76 = arith.index_cast %scan3A_58 : i32 to index
      %swap3A_77 = arith.constant 96 : index
      %swap3A_78 = tpu.vector_load %arg14[%swap3A_76, %swap3A_77] {strides = array<i32>} : memref<128x144xf32, #tpu.memory_space<vmem>>, vector<16xf32>,
      tpu.vector_store %arg14[%swap3A_76, %swap3A_77], %broadcast_in_dim3A_1 {strides = array<i32>} : memref<128x144xf32, #tpu.memory_space<vmem>>, vector<16xf32>,
      %swap3A_79 = arith.index_cast %scan3A_58 : i32 to index
      %swap3A_80 = arith.constant 112 : index
      %swap3A_81 = tpu.vector_load %arg14[%swap3A_79, %swap3A_80] {strides = array<i32>} : memref<128x144xf32, #tpu.memory_space<vmem>>, vector<16xf32>,
      tpu.vector_store %arg14[%swap3A_79, %swap3A_80], %broadcast_in_dim3A_1 {strides = array<i32>} : memref<128x144xf32, #tpu.memory_space<vmem>>, vector<16xf32>,
      %swap3A_82 = arith.index_cast %scan3A_58 : i32 to index
      %swap3A_83 = arith.constant 128 : index
      %swap3A_84 = tpu.vector_load %arg14[%swap3A_82, %swap3A_83] {strides = array<i32>} : memref<128x144xf32, #tpu.memory_space<vmem>>, vector<16xf32>,
      tpu.vector_store %arg14[%swap3A_82, %swap3A_83], %broadcast_in_dim3A_1 {strides = array<i32>} : memref<128x144xf32, #tpu.memory_space<vmem>>, vector<16xf32>,
    }
    %scan3A_10 = arith.constant 128 : i32
    %mul3A_11 = arith.constant 625 : i32
    %mul3A_12 = arith.muli %arg1, %mul3A_11 : i32
    %add3A_13 = arith.constant 0 : i32
    %add3A_14 = arith.addi %mul3A_12, %add3A_13 : i32
    "tpu.region"() ({
      %run_scoped3A = tpu.sem_alloc : memref<!tpu.dma_semaphore, #tpu.memory_space<semaphore_mem>>
      %dma_start3A = arith.constant 0 : i32
      %dma_start3A_58 = arith.constant 0 : i32
      %dma_start3A_59 = tpu.memref_slice %arg14[%dma_start3A, %dma_start3A_58] : memref<128x144xf32, #tpu.memory_space<vmem>> -> memref<128x144xf32, #tpu.memory_space<vmem>>
      %dma_start3A_60 = arith.constant 0 : i32
      %dma_start3A_61 = tpu.memref_slice %arg16[%add3A_14, %dma_start3A_60] : memref<10000x144xf32, #tpu.memory_space<vmem_shared>> -> memref<128x144xf32, #tpu.memory_space<vmem_shared>>
      %dma_start3A_62 = arith.constant 0 : i32
      %dma_start3A_63 = tpu.memref_slice %arg16[%add3A_14, %dma_start3A_62] : memref<10000x144xf32, #tpu.memory_space<vmem_shared>> -> memref<128x144xf32, #tpu.memory_space<vmem_shared>>
      %dma_start3A_64 = arith.constant 0 : i32
      %dma_start3A_65 = arith.constant 0 : i32
      %dma_start3A_66 = tpu.memref_slice %arg14[%dma_start3A_64, %dma_start3A_65] : memref<128x144xf32, #tpu.memory_space<vmem>> -> memref<128x144xf32, #tpu.memory_space<vmem>>
      tpu.enqueue_dma source(%dma_start3A_66 : memref<128x144xf32, #tpu.memory_space<vmem>>) target(%dma_start3A_63 : memref<128x144xf32, #tpu.memory_space<vmem_shared>>) target_semaphore(%run_scoped3A : memref<!tpu.dma_semaphore, #tpu.memory_space<semaphore_mem>>)
      %dma_wait3A = arith.constant 0 : i32
      %dma_wait3A_67 = arith.constant 0 : i32
      %dma_wait3A_68 = tpu.memref_slice %arg14[%dma_wait3A, %dma_wait3A_67] : memref<128x144xf32, #tpu.memory_space<vmem>> -> memref<128x144xf32, #tpu.memory_space<vmem>>
      %dma_wait3A_69 = arith.constant 0 : i32
      %dma_wait3A_70 = tpu.memref_slice %arg16[%add3A_14, %dma_wait3A_69] : memref<10000x144xf32, #tpu.memory_space<vmem_shared>> -> memref<128x144xf32, #tpu.memory_space<vmem_shared>>
      %dma_wait3A_71 = arith.constant 0 : i32
      %dma_wait3A_72 = tpu.memref_slice %arg16[%add3A_14, %dma_wait3A_71] : memref<10000x144xf32, #tpu.memory_space<vmem_shared>> -> memref<128x144xf32, #tpu.memory_space<vmem_shared>>
      %dma_wait3A_73 = arith.constant 0 : i32
      %dma_wait3A_74 = arith.constant 0 : i32
      %dma_wait3A_75 = tpu.memref_slice %arg14[%dma_wait3A_73, %dma_wait3A_74] : memref<128x144xf32, #tpu.memory_space<vmem>> -> memref<128x144xf32, #tpu.memory_space<vmem>>
      tpu.wait_dma2 semaphore(%run_scoped3A : memref<!tpu.dma_semaphore, #tpu.memory_space<semaphore_mem>>) src(%dma_wait3A_75 : memref<128x144xf32, #tpu.memory_space<vmem>>) dst(%dma_wait3A_72 : memref<128x144xf32, #tpu.memory_space<vmem_shared>>)
      tpu.yield
    }) : () -> ()
    %mul3A_15 = arith.constant 625 : i32
    %mul3A_16 = arith.muli %arg1, %mul3A_15 : i32
    %add3A_17 = arith.constant 128 : i32
    %add3A_18 = arith.addi %mul3A_16, %add3A_17 : i32
    "tpu.region"() ({
      %run_scoped3A = tpu.sem_alloc : memref<!tpu.dma_semaphore, #tpu.memory_space<semaphore_mem>>
      %dma_start3A = arith.constant 0 : i32
      %dma_start3A_58 = arith.constant 0 : i32
      %dma_start3A_59 = tpu.memref_slice %arg14[%dma_start3A, %dma_start3A_58] : memref<128x144xf32, #tpu.memory_space<vmem>> -> memref<128x144xf32, #tpu.memory_space<vmem>>
      %dma_start3A_60 = arith.constant 0 : i32
      %dma_start3A_61 = tpu.memref_slice %arg16[%add3A_18, %dma_start3A_60] : memref<10000x144xf32, #tpu.memory_space<vmem_shared>> -> memref<128x144xf32, #tpu.memory_space<vmem_shared>>
      %dma_start3A_62 = arith.constant 0 : i32
      %dma_start3A_63 = tpu.memref_slice %arg16[%add3A_18, %dma_start3A_62] : memref<10000x144xf32, #tpu.memory_space<vmem_shared>> -> memref<128x144xf32, #tpu.memory_space<vmem_shared>>
      %dma_start3A_64 = arith.constant 0 : i32
      %dma_start3A_65 = arith.constant 0 : i32
      %dma_start3A_66 = tpu.memref_slice %arg14[%dma_start3A_64, %dma_start3A_65] : memref<128x144xf32, #tpu.memory_space<vmem>> -> memref<128x144xf32, #tpu.memory_space<vmem>>
      tpu.enqueue_dma source(%dma_start3A_66 : memref<128x144xf32, #tpu.memory_space<vmem>>) target(%dma_start3A_63 : memref<128x144xf32, #tpu.memory_space<vmem_shared>>) target_semaphore(%run_scoped3A : memref<!tpu.dma_semaphore, #tpu.memory_space<semaphore_mem>>)
      %dma_wait3A = arith.constant 0 : i32
      %dma_wait3A_67 = arith.constant 0 : i32
      %dma_wait3A_68 = tpu.memref_slice %arg14[%dma_wait3A, %dma_wait3A_67] : memref<128x144xf32, #tpu.memory_space<vmem>> -> memref<128x144xf32, #tpu.memory_space<vmem>>
      %dma_wait3A_69 = arith.constant 0 : i32
      %dma_wait3A_70 = tpu.memref_slice %arg16[%add3A_18, %dma_wait3A_69] : memref<10000x144xf32, #tpu.memory_space<vmem_shared>> -> memref<128x144xf32, #tpu.memory_space<vmem_shared>>
      %dma_wait3A_71 = arith.constant 0 : i32
      %dma_wait3A_72 = tpu.memref_slice %arg16[%add3A_18, %dma_wait3A_71] : memref<10000x144xf32, #tpu.memory_space<vmem_shared>> -> memref<128x144xf32, #tpu.memory_space<vmem_shared>>
      %dma_wait3A_73 = arith.constant 0 : i32
      %dma_wait3A_74 = arith.constant 0 : i32
      %dma_wait3A_75 = tpu.memref_slice %arg14[%dma_wait3A_73, %dma_wait3A_74] : memref<128x144xf32, #tpu.memory_space<vmem>> -> memref<128x144xf32, #tpu.memory_space<vmem>>
      tpu.wait_dma2 semaphore(%run_scoped3A : memref<!tpu.dma_semaphore, #tpu.memory_space<semaphore_mem>>) src(%dma_wait3A_75 : memref<128x144xf32, #tpu.memory_space<vmem>>) dst(%dma_wait3A_72 : memref<128x144xf32, #tpu.memory_space<vmem_shared>>)
      tpu.yield
    }) : () -> ()
    %mul3A_19 = arith.constant 625 : i32
    %mul3A_20 = arith.muli %arg1, %mul3A_19 : i32
    %add3A_21 = arith.constant 256 : i32
    %add3A_22 = arith.addi %mul3A_20, %add3A_21 : i32
    "tpu.region"() ({
      %run_scoped3A = tpu.sem_alloc : memref<!tpu.dma_semaphore, #tpu.memory_space<semaphore_mem>>
      %dma_start3A = arith.constant 0 : i32
      %dma_start3A_58 = arith.constant 0 : i32
      %dma_start3A_59 = tpu.memref_slice %arg14[%dma_start3A, %dma_start3A_58] : memref<128x144xf32, #tpu.memory_space<vmem>> -> memref<128x144xf32, #tpu.memory_space<vmem>>
      %dma_start3A_60 = arith.constant 0 : i32
      %dma_start3A_61 = tpu.memref_slice %arg16[%add3A_22, %dma_start3A_60] : memref<10000x144xf32, #tpu.memory_space<vmem_shared>> -> memref<128x144xf32, #tpu.memory_space<vmem_shared>>
      %dma_start3A_62 = arith.constant 0 : i32
      %dma_start3A_63 = tpu.memref_slice %arg16[%add3A_22, %dma_start3A_62] : memref<10000x144xf32, #tpu.memory_space<vmem_shared>> -> memref<128x144xf32, #tpu.memory_space<vmem_shared>>
      %dma_start3A_64 = arith.constant 0 : i32
      %dma_start3A_65 = arith.constant 0 : i32
      %dma_start3A_66 = tpu.memref_slice %arg14[%dma_start3A_64, %dma_start3A_65] : memref<128x144xf32, #tpu.memory_space<vmem>> -> memref<128x144xf32, #tpu.memory_space<vmem>>
      tpu.enqueue_dma source(%dma_start3A_66 : memref<128x144xf32, #tpu.memory_space<vmem>>) target(%dma_start3A_63 : memref<128x144xf32, #tpu.memory_space<vmem_shared>>) target_semaphore(%run_scoped3A : memref<!tpu.dma_semaphore, #tpu.memory_space<semaphore_mem>>)
      %dma_wait3A = arith.constant 0 : i32
      %dma_wait3A_67 = arith.constant 0 : i32
      %dma_wait3A_68 = tpu.memref_slice %arg14[%dma_wait3A, %dma_wait3A_67] : memref<128x144xf32, #tpu.memory_space<vmem>> -> memref<128x144xf32, #tpu.memory_space<vmem>>
      %dma_wait3A_69 = arith.constant 0 : i32
      %dma_wait3A_70 = tpu.memref_slice %arg16[%add3A_22, %dma_wait3A_69] : memref<10000x144xf32, #tpu.memory_space<vmem_shared>> -> memref<128x144xf32, #tpu.memory_space<vmem_shared>>
      %dma_wait3A_71 = arith.constant 0 : i32
      %dma_wait3A_72 = tpu.memref_slice %arg16[%add3A_22, %dma_wait3A_71] : memref<10000x144xf32, #tpu.memory_space<vmem_shared>> -> memref<128x144xf32, #tpu.memory_space<vmem_shared>>
      %dma_wait3A_73 = arith.constant 0 : i32
      %dma_wait3A_74 = arith.constant 0 : i32
      %dma_wait3A_75 = tpu.memref_slice %arg14[%dma_wait3A_73, %dma_wait3A_74] : memref<128x144xf32, #tpu.memory_space<vmem>> -> memref<128x144xf32, #tpu.memory_space<vmem>>
      tpu.wait_dma2 semaphore(%run_scoped3A : memref<!tpu.dma_semaphore, #tpu.memory_space<semaphore_mem>>) src(%dma_wait3A_75 : memref<128x144xf32, #tpu.memory_space<vmem>>) dst(%dma_wait3A_72 : memref<128x144xf32, #tpu.memory_space<vmem_shared>>)
      tpu.yield
    }) : () -> ()
    %mul3A_23 = arith.constant 625 : i32
    %mul3A_24 = arith.muli %arg1, %mul3A_23 : i32
    %add3A_25 = arith.constant 384 : i32
    %add3A_26 = arith.addi %mul3A_24, %add3A_25 : i32
    "tpu.region"() ({
      %run_scoped3A = tpu.sem_alloc : memref<!tpu.dma_semaphore, #tpu.memory_space<semaphore_mem>>
      %dma_start3A = arith.constant 0 : i32
      %dma_start3A_58 = arith.constant 0 : i32
      %dma_start3A_59 = tpu.memref_slice %arg14[%dma_start3A, %dma_start3A_58] : memref<128x144xf32, #tpu.memory_space<vmem>> -> memref<128x144xf32, #tpu.memory_space<vmem>>
      %dma_start3A_60 = arith.constant 0 : i32
      %dma_start3A_61 = tpu.memref_slice %arg16[%add3A_26, %dma_start3A_60] : memref<10000x144xf32, #tpu.memory_space<vmem_shared>> -> memref<128x144xf32, #tpu.memory_space<vmem_shared>>
      %dma_start3A_62 = arith.constant 0 : i32
      %dma_start3A_63 = tpu.memref_slice %arg16[%add3A_26, %dma_start3A_62] : memref<10000x144xf32, #tpu.memory_space<vmem_shared>> -> memref<128x144xf32, #tpu.memory_space<vmem_shared>>
      %dma_start3A_64 = arith.constant 0 : i32
      %dma_start3A_65 = arith.constant 0 : i32
      %dma_start3A_66 = tpu.memref_slice %arg14[%dma_start3A_64, %dma_start3A_65] : memref<128x144xf32, #tpu.memory_space<vmem>> -> memref<128x144xf32, #tpu.memory_space<vmem>>
      tpu.enqueue_dma source(%dma_start3A_66 : memref<128x144xf32, #tpu.memory_space<vmem>>) target(%dma_start3A_63 : memref<128x144xf32, #tpu.memory_space<vmem_shared>>) target_semaphore(%run_scoped3A : memref<!tpu.dma_semaphore, #tpu.memory_space<semaphore_mem>>)
      %dma_wait3A = arith.constant 0 : i32
      %dma_wait3A_67 = arith.constant 0 : i32
      %dma_wait3A_68 = tpu.memref_slice %arg14[%dma_wait3A, %dma_wait3A_67] : memref<128x144xf32, #tpu.memory_space<vmem>> -> memref<128x144xf32, #tpu.memory_space<vmem>>
      %dma_wait3A_69 = arith.constant 0 : i32
      %dma_wait3A_70 = tpu.memref_slice %arg16[%add3A_26, %dma_wait3A_69] : memref<10000x144xf32, #tpu.memory_space<vmem_shared>> -> memref<128x144xf32, #tpu.memory_space<vmem_shared>>
      %dma_wait3A_71 = arith.constant 0 : i32
      %dma_wait3A_72 = tpu.memref_slice %arg16[%add3A_26, %dma_wait3A_71] : memref<10000x144xf32, #tpu.memory_space<vmem_shared>> -> memref<128x144xf32, #tpu.memory_space<vmem_shared>>
      %dma_wait3A_73 = arith.constant 0 : i32
      %dma_wait3A_74 = arith.constant 0 : i32
      %dma_wait3A_75 = tpu.memref_slice %arg14[%dma_wait3A_73, %dma_wait3A_74] : memref<128x144xf32, #tpu.memory_space<vmem>> -> memref<128x144xf32, #tpu.memory_space<vmem>>
      tpu.wait_dma2 semaphore(%run_scoped3A : memref<!tpu.dma_semaphore, #tpu.memory_space<semaphore_mem>>) src(%dma_wait3A_75 : memref<128x144xf32, #tpu.memory_space<vmem>>) dst(%dma_wait3A_72 : memref<128x144xf32, #tpu.memory_space<vmem_shared>>)
      tpu.yield
    }) : () -> ()
    %mul3A_27 = arith.constant 625 : i32
    %mul3A_28 = arith.muli %arg1, %mul3A_27 : i32
    %add3A_29 = arith.constant 512 : i32
    %add3A_30 = arith.addi %mul3A_28, %add3A_29 : i32
    "tpu.region"() ({
      %run_scoped3A = tpu.sem_alloc : memref<!tpu.dma_semaphore, #tpu.memory_space<semaphore_mem>>
      %dma_start3A = arith.constant 0 : i32
      %dma_start3A_58 = arith.constant 0 : i32
      %dma_start3A_59 = tpu.memref_slice %arg14[%dma_start3A, %dma_start3A_58] : memref<128x144xf32, #tpu.memory_space<vmem>> -> memref<113x144xf32, #tpu.memory_space<vmem>>
      %dma_start3A_60 = arith.constant 0 : i32
      %dma_start3A_61 = tpu.memref_slice %arg16[%add3A_30, %dma_start3A_60] : memref<10000x144xf32, #tpu.memory_space<vmem_shared>> -> memref<113x144xf32, #tpu.memory_space<vmem_shared>>
      %dma_start3A_62 = arith.constant 0 : i32
      %dma_start3A_63 = tpu.memref_slice %arg16[%add3A_30, %dma_start3A_62] : memref<10000x144xf32, #tpu.memory_space<vmem_shared>> -> memref<113x144xf32, #tpu.memory_space<vmem_shared>>
      %dma_start3A_64 = arith.constant 0 : i32
      %dma_start3A_65 = arith.constant 0 : i32
      %dma_start3A_66 = tpu.memref_slice %arg14[%dma_start3A_64, %dma_start3A_65] : memref<128x144xf32, #tpu.memory_space<vmem>> -> memref<113x144xf32, #tpu.memory_space<vmem>>
      tpu.enqueue_dma source(%dma_start3A_66 : memref<113x144xf32, #tpu.memory_space<vmem>>) target(%dma_start3A_63 : memref<113x144xf32, #tpu.memory_space<vmem_shared>>) target_semaphore(%run_scoped3A : memref<!tpu.dma_semaphore, #tpu.memory_space<semaphore_mem>>)
      %dma_wait3A = arith.constant 0 : i32
      %dma_wait3A_67 = arith.constant 0 : i32
      %dma_wait3A_68 = tpu.memref_slice %arg14[%dma_wait3A, %dma_wait3A_67] : memref<128x144xf32, #tpu.memory_space<vmem>> -> memref<113x144xf32, #tpu.memory_space<vmem>>
      %dma_wait3A_69 = arith.constant 0 : i32
      %dma_wait3A_70 = tpu.memref_slice %arg16[%add3A_30, %dma_wait3A_69] : memref<10000x144xf32, #tpu.memory_space<vmem_shared>> -> memref<113x144xf32, #tpu.memory_space<vmem_shared>>
      %dma_wait3A_71 = arith.constant 0 : i32
      %dma_wait3A_72 = tpu.memref_slice %arg16[%add3A_30, %dma_wait3A_71] : memref<10000x144xf32, #tpu.memory_space<vmem_shared>> -> memref<113x144xf32, #tpu.memory_space<vmem_shared>>
      %dma_wait3A_73 = arith.constant 0 : i32
      %dma_wait3A_74 = arith.constant 0 : i32
      %dma_wait3A_75 = tpu.memref_slice %arg14[%dma_wait3A_73, %dma_wait3A_74] : memref<128x144xf32, #tpu.memory_space<vmem>> -> memref<113x144xf32, #tpu.memory_space<vmem>>
      tpu.wait_dma2 semaphore(%run_scoped3A : memref<!tpu.dma_semaphore, #tpu.memory_space<semaphore_mem>>) src(%dma_wait3A_75 : memref<113x144xf32, #tpu.memory_space<vmem>>) dst(%dma_wait3A_72 : memref<113x144xf32, #tpu.memory_space<vmem_shared>>)
      tpu.yield
    }) : () -> ()
    %barrier3A = arith.constant 0 : index
    tpu.barrier barrier_id(%barrier3A)
    %scan3A_31 = arith.constant 0 : i32
    %scan3A_32 = arith.constant 0 : i32
    %scan3A_33 = arith.constant 40 : i32
    %scan3A_34 = arith.addi %scan3A_32, %scan3A_33 : i32
    %scan3A_35 = arith.constant 1 : i32
    scf.for %scan3A_58 = %scan3A_32 to %scan3A_34 step %scan3A_35  : i32 {
      %mul3A_59 = arith.constant 40 : i32
      %mul3A_60 = arith.muli %add3A, %mul3A_59 : i32
      %add3A_61 = arith.addi %mul3A_60, %scan3A_58 : i32
      "tpu.region"() ({
        %run_scoped3A_818 = tpu.sem_alloc : memref<!tpu.dma_semaphore, #tpu.memory_space<semaphore_mem>>
        %dma_start3A_819 = arith.constant 0 : i32
        %dma_start3A_820 = tpu.memref_slice %arg5[%add3A_61, %dma_start3A_819] : memref<1280x128xi32, #tpu.memory_space<hbm>> -> memref<1x128xi32, #tpu.memory_space<hbm>>
        %dma_start3A_821 = arith.constant 0 : i32
        %dma_start3A_822 = tpu.memref_slice %arg5[%add3A_61, %dma_start3A_821] : memref<1280x128xi32, #tpu.memory_space<hbm>> -> memref<1x128xi32, #tpu.memory_space<hbm>>
        tpu.enqueue_dma source(%dma_start3A_822 : memref<1x128xi32, #tpu.memory_space<hbm>>) target(%arg11 : memref<1x128xi32, #tpu.memory_space<vmem>>) target_semaphore(%run_scoped3A_818 : memref<!tpu.dma_semaphore, #tpu.memory_space<semaphore_mem>>)
        %dma_wait3A_823 = arith.constant 0 : i32
        %dma_wait3A_824 = tpu.memref_slice %arg5[%add3A_61, %dma_wait3A_823] : memref<1280x128xi32, #tpu.memory_space<hbm>> -> memref<1x128xi32, #tpu.memory_space<hbm>>
        %dma_wait3A_825 = arith.constant 0 : i32
        %dma_wait3A_826 = tpu.memref_slice %arg5[%add3A_61, %dma_wait3A_825] : memref<1280x128xi32, #tpu.memory_space<hbm>> -> memref<1x128xi32, #tpu.memory_space<hbm>>
        tpu.wait_dma2 semaphore(%run_scoped3A_818 : memref<!tpu.dma_semaphore, #tpu.memory_space<semaphore_mem>>) src(%dma_wait3A_826 : memref<1x128xi32, #tpu.memory_space<hbm>>) dst(%arg11 : memref<1x128xi32, #tpu.memory_space<vmem>>)
        tpu.yield
      }) : () -> ()
      %mul3A_62 = arith.constant 40 : i32
      %mul3A_63 = arith.muli %add3A, %mul3A_62 : i32
      %add3A_64 = arith.addi %mul3A_63, %scan3A_58 : i32
      "tpu.region"() ({
        %run_scoped3A_818 = tpu.sem_alloc : memref<!tpu.dma_semaphore, #tpu.memory_space<semaphore_mem>>
        %dma_start3A_819 = arith.constant 0 : i32
        %dma_start3A_820 = tpu.memref_slice %arg6[%add3A_64, %dma_start3A_819] : memref<1280x128xi32, #tpu.memory_space<hbm>> -> memref<1x128xi32, #tpu.memory_space<hbm>>
        %dma_start3A_821 = arith.constant 0 : i32
        %dma_start3A_822 = tpu.memref_slice %arg6[%add3A_64, %dma_start3A_821] : memref<1280x128xi32, #tpu.memory_space<hbm>> -> memref<1x128xi32, #tpu.memory_space<hbm>>
        tpu.enqueue_dma source(%dma_start3A_822 : memref<1x128xi32, #tpu.memory_space<hbm>>) target(%arg12 : memref<1x128xi32, #tpu.memory_space<vmem>>) target_semaphore(%run_scoped3A_818 : memref<!tpu.dma_semaphore, #tpu.memory_space<semaphore_mem>>)
        %dma_wait3A_823 = arith.constant 0 : i32
        %dma_wait3A_824 = tpu.memref_slice %arg6[%add3A_64, %dma_wait3A_823] : memref<1280x128xi32, #tpu.memory_space<hbm>> -> memref<1x128xi32, #tpu.memory_space<hbm>>
        %dma_wait3A_825 = arith.constant 0 : i32
        %dma_wait3A_826 = tpu.memref_slice %arg6[%add3A_64, %dma_wait3A_825] : memref<1280x128xi32, #tpu.memory_space<hbm>> -> memref<1x128xi32, #tpu.memory_space<hbm>>
        tpu.wait_dma2 semaphore(%run_scoped3A_818 : memref<!tpu.dma_semaphore, #tpu.memory_space<semaphore_mem>>) src(%dma_wait3A_826 : memref<1x128xi32, #tpu.memory_space<hbm>>) dst(%arg12 : memref<1x128xi32, #tpu.memory_space<vmem>>)
        tpu.yield
      }) : () -> ()
      %mul3A_65 = arith.constant 40 : i32
      %mul3A_66 = arith.muli %add3A, %mul3A_65 : i32
      %add3A_67 = arith.addi %mul3A_66, %scan3A_58 : i32
      "tpu.region"() ({
        %run_scoped3A_818 = tpu.sem_alloc : memref<!tpu.dma_semaphore, #tpu.memory_space<semaphore_mem>>
        %dma_start3A_819 = arith.constant 0 : i32
        %dma_start3A_820 = tpu.memref_slice %arg7[%add3A_67, %dma_start3A_819] : memref<1280x128xi32, #tpu.memory_space<hbm>> -> memref<1x128xi32, #tpu.memory_space<hbm>>
        %dma_start3A_821 = arith.constant 0 : i32
        %dma_start3A_822 = tpu.memref_slice %arg7[%add3A_67, %dma_start3A_821] : memref<1280x128xi32, #tpu.memory_space<hbm>> -> memref<1x128xi32, #tpu.memory_space<hbm>>
        tpu.enqueue_dma source(%dma_start3A_822 : memref<1x128xi32, #tpu.memory_space<hbm>>) target(%arg13 : memref<1x128xi32, #tpu.memory_space<vmem>>) target_semaphore(%run_scoped3A_818 : memref<!tpu.dma_semaphore, #tpu.memory_space<semaphore_mem>>)
        %dma_wait3A_823 = arith.constant 0 : i32
        %dma_wait3A_824 = tpu.memref_slice %arg7[%add3A_67, %dma_wait3A_823] : memref<1280x128xi32, #tpu.memory_space<hbm>> -> memref<1x128xi32, #tpu.memory_space<hbm>>
        %dma_wait3A_825 = arith.constant 0 : i32
        %dma_wait3A_826 = tpu.memref_slice %arg7[%add3A_67, %dma_wait3A_825] : memref<1280x128xi32, #tpu.memory_space<hbm>> -> memref<1x128xi32, #tpu.memory_space<hbm>>
        tpu.wait_dma2 semaphore(%run_scoped3A_818 : memref<!tpu.dma_semaphore, #tpu.memory_space<semaphore_mem>>) src(%dma_wait3A_826 : memref<1x128xi32, #tpu.memory_space<hbm>>) dst(%arg13 : memref<1x128xi32, #tpu.memory_space<vmem>>)
        tpu.yield
      }) : () -> ()
      %dma_start3A = arith.constant 0 : i32
      %dma_start3A_68 = arith.constant 0 : i32
      %dma_start3A_69 = tpu.memref_slice %arg11[%dma_start3A, %dma_start3A_68] : memref<1x128xi32, #tpu.memory_space<vmem>> -> memref<1x128xi32, #tpu.memory_space<vmem>>
      %dma_start3A_70 = tpu.memref_squeeze %dma_start3A_69 : memref<1x128xi32, #tpu.memory_space<vmem>> -> memref<128xi32, #tpu.memory_space<vmem>>
      %dma_start3A_71 = arith.constant 0 : i32
      %dma_start3A_72 = arith.constant 0 : i32
      %dma_start3A_73 = tpu.memref_slice %arg2[%dma_start3A_71, %dma_start3A_72] : memref<10000x144xf32, #tpu.memory_space<hbm>> -> memref<10000x144xf32, #tpu.memory_space<hbm>>
      tpu.enqueue_indirect_dma source(%dma_start3A_73 : memref<10000x144xf32, #tpu.memory_space<hbm>>) target(%arg14 : memref<128x144xf32, #tpu.memory_space<vmem>>) offsets(%dma_start3A_70 : memref<128xi32, #tpu.memory_space<vmem>>) semaphore(%arg17 : memref<!tpu.dma_semaphore, #tpu.memory_space<semaphore_mem>>)
      %dma_wait3A = arith.constant 0 : i32
      %dma_wait3A_74 = arith.constant 0 : i32
      %dma_wait3A_75 = tpu.memref_slice %arg11[%dma_wait3A, %dma_wait3A_74] : memref<1x128xi32, #tpu.memory_space<vmem>> -> memref<1x128xi32, #tpu.memory_space<vmem>>
      %dma_wait3A_76 = tpu.memref_squeeze %dma_wait3A_75 : memref<1x128xi32, #tpu.memory_space<vmem>> -> memref<128xi32, #tpu.memory_space<vmem>>
      %dma_wait3A_77 = arith.constant 0 : i32
      %dma_wait3A_78 = arith.constant 0 : i32
      %dma_wait3A_79 = tpu.memref_slice %arg2[%dma_wait3A_77, %dma_wait3A_78] : memref<10000x144xf32, #tpu.memory_space<hbm>> -> memref<10000x144xf32, #tpu.memory_space<hbm>>
      tpu.wait_indirect_dma semaphore(%arg17 : memref<!tpu.dma_semaphore, #tpu.memory_space<semaphore_mem>>) src(%dma_wait3A_79 : memref<10000x144xf32, #tpu.memory_space<hbm>>) dst(%arg14 : memref<128x144xf32, #tpu.memory_space<vmem>>)
      %mul3A_80 = arith.constant 5120 : i32
      %mul3A_81 = arith.muli %add3A, %mul3A_80 : i32
      %mul3A_82 = arith.constant 128 : i32
      %mul3A_83 = arith.muli %scan3A_58, %mul3A_82 : i32
      %add3A_84 = arith.addi %mul3A_81, %mul3A_83 : i32
      %get3A = arith.constant 0 : i32
      %get3A_85 = arith.index_cast %get3A : i32 to index
      %get3A_86 = arith.constant 0 : index
      %get3A_87 = tpu.vector_load %arg12[%get3A_85, %get3A_86] {strides = array<i32>} : memref<1x128xi32, #tpu.memory_space<vmem>>, vector<16xi32>,
      %get3A_88 = arith.constant 0 : i32
      %get3A_89 = arith.index_cast %get3A_88 : i32 to index
      %get3A_90 = arith.constant 0 : index
      %get3A_91 = tpu.vector_load %arg13[%get3A_89, %get3A_90] {strides = array<i32>} : memref<1x128xi32, #tpu.memory_space<vmem>>, vector<16xi32>,
      %add3A_92 = arith.constant 0 : i32
      %add3A_93 = vector.broadcast %add3A_92 : i32 to vector<16xi32>
      %add3A_94 = arith.addi %add3A_93, %iota3A : vector<16xi32>
      %gather3A = tpu.vector_load_idx %arg14[%add3A_94, %broadcast_in_dim3A_3] : memref<128x144xf32, #tpu.memory_space<vmem>>[vector<16xi32>, vector<16xi32>], vector<16xf32>,
      %gather3A_95 = tpu.vector_load_idx %arg14[%add3A_94, %broadcast_in_dim3A_5] : memref<128x144xf32, #tpu.memory_space<vmem>>[vector<16xi32>, vector<16xi32>], vector<16xf32>,
      %mul3A_96 = arith.constant 2 : i32
      %mul3A_97 = vector.broadcast %mul3A_96 : i32 to vector<16xi32>
      %mul3A_98 = arith.muli %get3A_87, %mul3A_97 : vector<16xi32>
      %gather3A_99 = tpu.vector_load_idx %arg9[%mul3A_98] : memref<20000xf32, #tpu.memory_space<vmem>>[vector<16xi32>], vector<16xf32>,
      %mul3A_100 = arith.constant 2 : i32
      %mul3A_101 = vector.broadcast %mul3A_100 : i32 to vector<16xi32>
      %mul3A_102 = arith.muli %get3A_87, %mul3A_101 : vector<16xi32>
      %add3A_103 = arith.constant 1 : i32
      %add3A_104 = vector.broadcast %add3A_103 : i32 to vector<16xi32>
      %add3A_105 = arith.addi %mul3A_102, %add3A_104 : vector<16xi32>
      %gather3A_106 = tpu.vector_load_idx %arg9[%add3A_105] : memref<20000xf32, #tpu.memory_space<vmem>>[vector<16xi32>], vector<16xf32>,
      %mul3A_107 = arith.constant 2 : i32
      %mul3A_108 = vector.broadcast %mul3A_107 : i32 to vector<16xi32>
      %mul3A_109 = arith.muli %get3A_91, %mul3A_108 : vector<16xi32>
      %gather3A_110 = tpu.vector_load_idx %arg10[%mul3A_109] : memref<16xf32, #tpu.memory_space<vmem>>[vector<16xi32>], vector<16xf32>,
      %mul3A_111 = arith.constant 2 : i32
      %mul3A_112 = vector.broadcast %mul3A_111 : i32 to vector<16xi32>
      %mul3A_113 = arith.muli %get3A_91, %mul3A_112 : vector<16xi32>
      %add3A_114 = arith.constant 1 : i32
      %add3A_115 = vector.broadcast %add3A_114 : i32 to vector<16xi32>
      %add3A_116 = arith.addi %mul3A_113, %add3A_115 : vector<16xi32>
      %gather3A_117 = tpu.vector_load_idx %arg10[%add3A_116] : memref<16xf32, #tpu.memory_space<vmem>>[vector<16xi32>], vector<16xf32>,
      %add3A_118 = arith.constant 0 : i32
      %add3A_119 = arith.addi %add3A_84, %add3A_118 : i32
      %add3A_120 = vector.broadcast %add3A_119 : i32 to vector<16xi32>
      %add3A_121 = arith.addi %add3A_120, %iota3A : vector<16xi32>
      %lt3A = arith.constant 160000 : i32
      %lt3A_122 = vector.broadcast %lt3A : i32 to vector<16xi32>
      %lt3A_123 = arith.cmpi slt, %add3A_121, %lt3A_122 : vector<16xi32>
      %add3A_124 = arith.addf %gather3A, %gather3A_99 : vector<16xf32>
      %add3A_125 = arith.addf %add3A_124, %gather3A_110 : vector<16xf32>
      %gt3A = arith.constant 0.000000e+00 : f32
      %gt3A_126 = vector.broadcast %gt3A : f32 to vector<16xf32>
      %gt3A_127 = arith.cmpf ogt, %add3A_125, %gt3A_126 : vector<16xf32>
      %mul3A_128 = arith.constant 2.000000e-01 : f32
      %mul3A_129 = vector.broadcast %mul3A_128 : f32 to vector<16xf32>
      %mul3A_130 = arith.mulf %mul3A_129, %add3A_125 : vector<16xf32>
      %select_n3A = arith.select %gt3A_127, %add3A_125, %mul3A_130 : vector<16xi1>, vector<16xf32>
      %gt3A_131 = arith.constant 0.000000e+00 : f32
      %gt3A_132 = vector.broadcast %gt3A_131 : f32 to vector<16xf32>
      %gt3A_133 = arith.cmpf ogt, %gather3A_99, %gt3A_132 : vector<16xf32>
      %mul3A_134 = arith.constant 2.000000e-01 : f32
      %mul3A_135 = vector.broadcast %mul3A_134 : f32 to vector<16xf32>
      %mul3A_136 = arith.mulf %mul3A_135, %gather3A_99 : vector<16xf32>
      %select_n3A_137 = arith.select %gt3A_133, %gather3A_99, %mul3A_136 : vector<16xi1>, vector<16xf32>
      %sub3A = arith.subf %select_n3A, %select_n3A_137 : vector<16xf32>
      %exp3A = math.exp %sub3A : vector<16xf32>
      %add3A_138 = arith.addf %gather3A_95, %gather3A_106 : vector<16xf32>
      %add3A_139 = arith.addf %add3A_138, %gather3A_117 : vector<16xf32>
      %gt3A_140 = arith.constant 0.000000e+00 : f32
      %gt3A_141 = vector.broadcast %gt3A_140 : f32 to vector<16xf32>
      %gt3A_142 = arith.cmpf ogt, %add3A_139, %gt3A_141 : vector<16xf32>
      %mul3A_143 = arith.constant 2.000000e-01 : f32
      %mul3A_144 = vector.broadcast %mul3A_143 : f32 to vector<16xf32>
      %mul3A_145 = arith.mulf %mul3A_144, %add3A_139 : vector<16xf32>
      %select_n3A_146 = arith.select %gt3A_142, %add3A_139, %mul3A_145 : vector<16xi1>, vector<16xf32>
      %gt3A_147 = arith.constant 0.000000e+00 : f32
      %gt3A_148 = vector.broadcast %gt3A_147 : f32 to vector<16xf32>
      %gt3A_149 = arith.cmpf ogt, %gather3A_106, %gt3A_148 : vector<16xf32>
      %mul3A_150 = arith.constant 2.000000e-01 : f32
      %mul3A_151 = vector.broadcast %mul3A_150 : f32 to vector<16xf32>
      %mul3A_152 = arith.mulf %mul3A_151, %gather3A_106 : vector<16xf32>
      %select_n3A_153 = arith.select %gt3A_149, %gather3A_106, %mul3A_152 : vector<16xi1>, vector<16xf32>
      %sub3A_154 = arith.subf %select_n3A_146, %select_n3A_153 : vector<16xf32>
      %exp3A_155 = math.exp %sub3A_154 : vector<16xf32>
      %jit3A = arith.constant 0.000000e+00 : f32
      %broadcast_in_dim3A_156 = vector.broadcast %jit3A : f32 to vector<16xf32>
      %select_n3A_157 = arith.select %lt3A_123, %exp3A, %broadcast_in_dim3A_156 : vector<16xi1>, vector<16xf32>
      %swap3A = arith.constant 0 : i32
      %swap3A_158 = arith.index_cast %swap3A : i32 to index
      %swap3A_159 = arith.constant 0 : index
      %swap3A_160 = tpu.vector_load %arg15[%swap3A_158, %swap3A_159] {strides = array<i32>} : memref<2x144xf32, #tpu.memory_space<vmem>>, vector<16xf32>,
      tpu.vector_store %arg15[%swap3A_158, %swap3A_159], %select_n3A_157 {strides = array<i32>} : memref<2x144xf32, #tpu.memory_space<vmem>>, vector<16xf32>,
      %jit3A_161 = arith.constant 0.000000e+00 : f32
      %broadcast_in_dim3A_162 = vector.broadcast %jit3A_161 : f32 to vector<16xf32>
      %select_n3A_163 = arith.select %lt3A_123, %exp3A_155, %broadcast_in_dim3A_162 : vector<16xi1>, vector<16xf32>
      %swap3A_164 = arith.constant 1 : i32
      %swap3A_165 = arith.index_cast %swap3A_164 : i32 to index
      %swap3A_166 = arith.constant 0 : index
      %swap3A_167 = tpu.vector_load %arg15[%swap3A_165, %swap3A_166] {strides = array<i32>} : memref<2x144xf32, #tpu.memory_space<vmem>>, vector<16xf32>,
      tpu.vector_store %arg15[%swap3A_165, %swap3A_166], %select_n3A_163 {strides = array<i32>} : memref<2x144xf32, #tpu.memory_space<vmem>>, vector<16xf32>,
      %get3A_168 = arith.constant 0 : i32
      %get3A_169 = arith.index_cast %get3A_168 : i32 to index
      %get3A_170 = arith.constant 16 : index
      %get3A_171 = tpu.vector_load %arg12[%get3A_169, %get3A_170] {strides = array<i32>} : memref<1x128xi32, #tpu.memory_space<vmem>>, vector<16xi32>,
      %get3A_172 = arith.constant 0 : i32
      %get3A_173 = arith.index_cast %get3A_172 : i32 to index
      %get3A_174 = arith.constant 16 : index
      %get3A_175 = tpu.vector_load %arg13[%get3A_173, %get3A_174] {strides = array<i32>} : memref<1x128xi32, #tpu.memory_space<vmem>>, vector<16xi32>,
      %add3A_176 = arith.constant 16 : i32
      %add3A_177 = vector.broadcast %add3A_176 : i32 to vector<16xi32>
      %add3A_178 = arith.addi %add3A_177, %iota3A : vector<16xi32>
      %gather3A_179 = tpu.vector_load_idx %arg14[%add3A_178, %broadcast_in_dim3A_3] : memref<128x144xf32, #tpu.memory_space<vmem>>[vector<16xi32>, vector<16xi32>], vector<16xf32>,
      %gather3A_180 = tpu.vector_load_idx %arg14[%add3A_178, %broadcast_in_dim3A_5] : memref<128x144xf32, #tpu.memory_space<vmem>>[vector<16xi32>, vector<16xi32>], vector<16xf32>,
      %mul3A_181 = arith.constant 2 : i32
      %mul3A_182 = vector.broadcast %mul3A_181 : i32 to vector<16xi32>
      %mul3A_183 = arith.muli %get3A_171, %mul3A_182 : vector<16xi32>
      %gather3A_184 = tpu.vector_load_idx %arg9[%mul3A_183] : memref<20000xf32, #tpu.memory_space<vmem>>[vector<16xi32>], vector<16xf32>,
      %mul3A_185 = arith.constant 2 : i32
      %mul3A_186 = vector.broadcast %mul3A_185 : i32 to vector<16xi32>
      %mul3A_187 = arith.muli %get3A_171, %mul3A_186 : vector<16xi32>
      %add3A_188 = arith.constant 1 : i32
      %add3A_189 = vector.broadcast %add3A_188 : i32 to vector<16xi32>
      %add3A_190 = arith.addi %mul3A_187, %add3A_189 : vector<16xi32>
      %gather3A_191 = tpu.vector_load_idx %arg9[%add3A_190] : memref<20000xf32, #tpu.memory_space<vmem>>[vector<16xi32>], vector<16xf32>,
      %mul3A_192 = arith.constant 2 : i32
      %mul3A_193 = vector.broadcast %mul3A_192 : i32 to vector<16xi32>
      %mul3A_194 = arith.muli %get3A_175, %mul3A_193 : vector<16xi32>
      %gather3A_195 = tpu.vector_load_idx %arg10[%mul3A_194] : memref<16xf32, #tpu.memory_space<vmem>>[vector<16xi32>], vector<16xf32>,
      %mul3A_196 = arith.constant 2 : i32
      %mul3A_197 = vector.broadcast %mul3A_196 : i32 to vector<16xi32>
      %mul3A_198 = arith.muli %get3A_175, %mul3A_197 : vector<16xi32>
      %add3A_199 = arith.constant 1 : i32
      %add3A_200 = vector.broadcast %add3A_199 : i32 to vector<16xi32>
      %add3A_201 = arith.addi %mul3A_198, %add3A_200 : vector<16xi32>
      %gather3A_202 = tpu.vector_load_idx %arg10[%add3A_201] : memref<16xf32, #tpu.memory_space<vmem>>[vector<16xi32>], vector<16xf32>,
      %add3A_203 = arith.constant 16 : i32
      %add3A_204 = arith.addi %add3A_84, %add3A_203 : i32
      %add3A_205 = vector.broadcast %add3A_204 : i32 to vector<16xi32>
      %add3A_206 = arith.addi %add3A_205, %iota3A : vector<16xi32>
      %lt3A_207 = arith.constant 160000 : i32
      %lt3A_208 = vector.broadcast %lt3A_207 : i32 to vector<16xi32>
      %lt3A_209 = arith.cmpi slt, %add3A_206, %lt3A_208 : vector<16xi32>
      %add3A_210 = arith.addf %gather3A_179, %gather3A_184 : vector<16xf32>
      %add3A_211 = arith.addf %add3A_210, %gather3A_195 : vector<16xf32>
      %gt3A_212 = arith.constant 0.000000e+00 : f32
      %gt3A_213 = vector.broadcast %gt3A_212 : f32 to vector<16xf32>
      %gt3A_214 = arith.cmpf ogt, %add3A_211, %gt3A_213 : vector<16xf32>
      %mul3A_215 = arith.constant 2.000000e-01 : f32
      %mul3A_216 = vector.broadcast %mul3A_215 : f32 to vector<16xf32>
      %mul3A_217 = arith.mulf %mul3A_216, %add3A_211 : vector<16xf32>
      %select_n3A_218 = arith.select %gt3A_214, %add3A_211, %mul3A_217 : vector<16xi1>, vector<16xf32>
      %gt3A_219 = arith.constant 0.000000e+00 : f32
      %gt3A_220 = vector.broadcast %gt3A_219 : f32 to vector<16xf32>
      %gt3A_221 = arith.cmpf ogt, %gather3A_184, %gt3A_220 : vector<16xf32>
      %mul3A_222 = arith.constant 2.000000e-01 : f32
      %mul3A_223 = vector.broadcast %mul3A_222 : f32 to vector<16xf32>
      %mul3A_224 = arith.mulf %mul3A_223, %gather3A_184 : vector<16xf32>
      %select_n3A_225 = arith.select %gt3A_221, %gather3A_184, %mul3A_224 : vector<16xi1>, vector<16xf32>
      %sub3A_226 = arith.subf %select_n3A_218, %select_n3A_225 : vector<16xf32>
      %exp3A_227 = math.exp %sub3A_226 : vector<16xf32>
      %add3A_228 = arith.addf %gather3A_180, %gather3A_191 : vector<16xf32>
      %add3A_229 = arith.addf %add3A_228, %gather3A_202 : vector<16xf32>
      %gt3A_230 = arith.constant 0.000000e+00 : f32
      %gt3A_231 = vector.broadcast %gt3A_230 : f32 to vector<16xf32>
      %gt3A_232 = arith.cmpf ogt, %add3A_229, %gt3A_231 : vector<16xf32>
      %mul3A_233 = arith.constant 2.000000e-01 : f32
      %mul3A_234 = vector.broadcast %mul3A_233 : f32 to vector<16xf32>
      %mul3A_235 = arith.mulf %mul3A_234, %add3A_229 : vector<16xf32>
      %select_n3A_236 = arith.select %gt3A_232, %add3A_229, %mul3A_235 : vector<16xi1>, vector<16xf32>
      %gt3A_237 = arith.constant 0.000000e+00 : f32
      %gt3A_238 = vector.broadcast %gt3A_237 : f32 to vector<16xf32>
      %gt3A_239 = arith.cmpf ogt, %gather3A_191, %gt3A_238 : vector<16xf32>
      %mul3A_240 = arith.constant 2.000000e-01 : f32
      %mul3A_241 = vector.broadcast %mul3A_240 : f32 to vector<16xf32>
      %mul3A_242 = arith.mulf %mul3A_241, %gather3A_191 : vector<16xf32>
      %select_n3A_243 = arith.select %gt3A_239, %gather3A_191, %mul3A_242 : vector<16xi1>, vector<16xf32>
      %sub3A_244 = arith.subf %select_n3A_236, %select_n3A_243 : vector<16xf32>
      %exp3A_245 = math.exp %sub3A_244 : vector<16xf32>
      %jit3A_246 = arith.constant 0.000000e+00 : f32
      %broadcast_in_dim3A_247 = vector.broadcast %jit3A_246 : f32 to vector<16xf32>
      %select_n3A_248 = arith.select %lt3A_209, %exp3A_227, %broadcast_in_dim3A_247 : vector<16xi1>, vector<16xf32>
      %swap3A_249 = arith.constant 0 : i32
      %swap3A_250 = arith.index_cast %swap3A_249 : i32 to index
      %swap3A_251 = arith.constant 16 : index
      %swap3A_252 = tpu.vector_load %arg15[%swap3A_250, %swap3A_251] {strides = array<i32>} : memref<2x144xf32, #tpu.memory_space<vmem>>, vector<16xf32>,
      tpu.vector_store %arg15[%swap3A_250, %swap3A_251], %select_n3A_248 {strides = array<i32>} : memref<2x144xf32, #tpu.memory_space<vmem>>, vector<16xf32>,
      %jit3A_253 = arith.constant 0.000000e+00 : f32
      %broadcast_in_dim3A_254 = vector.broadcast %jit3A_253 : f32 to vector<16xf32>
      %select_n3A_255 = arith.select %lt3A_209, %exp3A_245, %broadcast_in_dim3A_254 : vector<16xi1>, vector<16xf32>
      %swap3A_256 = arith.constant 1 : i32
      %swap3A_257 = arith.index_cast %swap3A_256 : i32 to index
      %swap3A_258 = arith.constant 16 : index
      %swap3A_259 = tpu.vector_load %arg15[%swap3A_257, %swap3A_258] {strides = array<i32>} : memref<2x144xf32, #tpu.memory_space<vmem>>, vector<16xf32>,
      tpu.vector_store %arg15[%swap3A_257, %swap3A_258], %select_n3A_255 {strides = array<i32>} : memref<2x144xf32, #tpu.memory_space<vmem>>, vector<16xf32>,
      %get3A_260 = arith.constant 0 : i32
      %get3A_261 = arith.index_cast %get3A_260 : i32 to index
      %get3A_262 = arith.constant 32 : index
      %get3A_263 = tpu.vector_load %arg12[%get3A_261, %get3A_262] {strides = array<i32>} : memref<1x128xi32, #tpu.memory_space<vmem>>, vector<16xi32>,
      %get3A_264 = arith.constant 0 : i32
      %get3A_265 = arith.index_cast %get3A_264 : i32 to index
      %get3A_266 = arith.constant 32 : index
      %get3A_267 = tpu.vector_load %arg13[%get3A_265, %get3A_266] {strides = array<i32>} : memref<1x128xi32, #tpu.memory_space<vmem>>, vector<16xi32>,
      %add3A_268 = arith.constant 32 : i32
      %add3A_269 = vector.broadcast %add3A_268 : i32 to vector<16xi32>
      %add3A_270 = arith.addi %add3A_269, %iota3A : vector<16xi32>
      %gather3A_271 = tpu.vector_load_idx %arg14[%add3A_270, %broadcast_in_dim3A_3] : memref<128x144xf32, #tpu.memory_space<vmem>>[vector<16xi32>, vector<16xi32>], vector<16xf32>,
      %gather3A_272 = tpu.vector_load_idx %arg14[%add3A_270, %broadcast_in_dim3A_5] : memref<128x144xf32, #tpu.memory_space<vmem>>[vector<16xi32>, vector<16xi32>], vector<16xf32>,
      %mul3A_273 = arith.constant 2 : i32
      %mul3A_274 = vector.broadcast %mul3A_273 : i32 to vector<16xi32>
      %mul3A_275 = arith.muli %get3A_263, %mul3A_274 : vector<16xi32>
      %gather3A_276 = tpu.vector_load_idx %arg9[%mul3A_275] : memref<20000xf32, #tpu.memory_space<vmem>>[vector<16xi32>], vector<16xf32>,
      %mul3A_277 = arith.constant 2 : i32
      %mul3A_278 = vector.broadcast %mul3A_277 : i32 to vector<16xi32>
      %mul3A_279 = arith.muli %get3A_263, %mul3A_278 : vector<16xi32>
      %add3A_280 = arith.constant 1 : i32
      %add3A_281 = vector.broadcast %add3A_280 : i32 to vector<16xi32>
      %add3A_282 = arith.addi %mul3A_279, %add3A_281 : vector<16xi32>
      %gather3A_283 = tpu.vector_load_idx %arg9[%add3A_282] : memref<20000xf32, #tpu.memory_space<vmem>>[vector<16xi32>], vector<16xf32>,
      %mul3A_284 = arith.constant 2 : i32
      %mul3A_285 = vector.broadcast %mul3A_284 : i32 to vector<16xi32>
      %mul3A_286 = arith.muli %get3A_267, %mul3A_285 : vector<16xi32>
      %gather3A_287 = tpu.vector_load_idx %arg10[%mul3A_286] : memref<16xf32, #tpu.memory_space<vmem>>[vector<16xi32>], vector<16xf32>,
      %mul3A_288 = arith.constant 2 : i32
      %mul3A_289 = vector.broadcast %mul3A_288 : i32 to vector<16xi32>
      %mul3A_290 = arith.muli %get3A_267, %mul3A_289 : vector<16xi32>
      %add3A_291 = arith.constant 1 : i32
      %add3A_292 = vector.broadcast %add3A_291 : i32 to vector<16xi32>
      %add3A_293 = arith.addi %mul3A_290, %add3A_292 : vector<16xi32>
      %gather3A_294 = tpu.vector_load_idx %arg10[%add3A_293] : memref<16xf32, #tpu.memory_space<vmem>>[vector<16xi32>], vector<16xf32>,
      %add3A_295 = arith.constant 32 : i32
      %add3A_296 = arith.addi %add3A_84, %add3A_295 : i32
      %add3A_297 = vector.broadcast %add3A_296 : i32 to vector<16xi32>
      %add3A_298 = arith.addi %add3A_297, %iota3A : vector<16xi32>
      %lt3A_299 = arith.constant 160000 : i32
      %lt3A_300 = vector.broadcast %lt3A_299 : i32 to vector<16xi32>
      %lt3A_301 = arith.cmpi slt, %add3A_298, %lt3A_300 : vector<16xi32>
      %add3A_302 = arith.addf %gather3A_271, %gather3A_276 : vector<16xf32>
      %add3A_303 = arith.addf %add3A_302, %gather3A_287 : vector<16xf32>
      %gt3A_304 = arith.constant 0.000000e+00 : f32
      %gt3A_305 = vector.broadcast %gt3A_304 : f32 to vector<16xf32>
      %gt3A_306 = arith.cmpf ogt, %add3A_303, %gt3A_305 : vector<16xf32>
      %mul3A_307 = arith.constant 2.000000e-01 : f32
      %mul3A_308 = vector.broadcast %mul3A_307 : f32 to vector<16xf32>
      %mul3A_309 = arith.mulf %mul3A_308, %add3A_303 : vector<16xf32>
      %select_n3A_310 = arith.select %gt3A_306, %add3A_303, %mul3A_309 : vector<16xi1>, vector<16xf32>
      %gt3A_311 = arith.constant 0.000000e+00 : f32
      %gt3A_312 = vector.broadcast %gt3A_311 : f32 to vector<16xf32>
      %gt3A_313 = arith.cmpf ogt, %gather3A_276, %gt3A_312 : vector<16xf32>
      %mul3A_314 = arith.constant 2.000000e-01 : f32
      %mul3A_315 = vector.broadcast %mul3A_314 : f32 to vector<16xf32>
      %mul3A_316 = arith.mulf %mul3A_315, %gather3A_276 : vector<16xf32>
      %select_n3A_317 = arith.select %gt3A_313, %gather3A_276, %mul3A_316 : vector<16xi1>, vector<16xf32>
      %sub3A_318 = arith.subf %select_n3A_310, %select_n3A_317 : vector<16xf32>
      %exp3A_319 = math.exp %sub3A_318 : vector<16xf32>
      %add3A_320 = arith.addf %gather3A_272, %gather3A_283 : vector<16xf32>
      %add3A_321 = arith.addf %add3A_320, %gather3A_294 : vector<16xf32>
      %gt3A_322 = arith.constant 0.000000e+00 : f32
      %gt3A_323 = vector.broadcast %gt3A_322 : f32 to vector<16xf32>
      %gt3A_324 = arith.cmpf ogt, %add3A_321, %gt3A_323 : vector<16xf32>
      %mul3A_325 = arith.constant 2.000000e-01 : f32
      %mul3A_326 = vector.broadcast %mul3A_325 : f32 to vector<16xf32>
      %mul3A_327 = arith.mulf %mul3A_326, %add3A_321 : vector<16xf32>
      %select_n3A_328 = arith.select %gt3A_324, %add3A_321, %mul3A_327 : vector<16xi1>, vector<16xf32>
      %gt3A_329 = arith.constant 0.000000e+00 : f32
      %gt3A_330 = vector.broadcast %gt3A_329 : f32 to vector<16xf32>
      %gt3A_331 = arith.cmpf ogt, %gather3A_283, %gt3A_330 : vector<16xf32>
      %mul3A_332 = arith.constant 2.000000e-01 : f32
      %mul3A_333 = vector.broadcast %mul3A_332 : f32 to vector<16xf32>
      %mul3A_334 = arith.mulf %mul3A_333, %gather3A_283 : vector<16xf32>
      %select_n3A_335 = arith.select %gt3A_331, %gather3A_283, %mul3A_334 : vector<16xi1>, vector<16xf32>
      %sub3A_336 = arith.subf %select_n3A_328, %select_n3A_335 : vector<16xf32>
      %exp3A_337 = math.exp %sub3A_336 : vector<16xf32>
      %jit3A_338 = arith.constant 0.000000e+00 : f32
      %broadcast_in_dim3A_339 = vector.broadcast %jit3A_338 : f32 to vector<16xf32>
      %select_n3A_340 = arith.select %lt3A_301, %exp3A_319, %broadcast_in_dim3A_339 : vector<16xi1>, vector<16xf32>
      %swap3A_341 = arith.constant 0 : i32
      %swap3A_342 = arith.index_cast %swap3A_341 : i32 to index
      %swap3A_343 = arith.constant 32 : index
      %swap3A_344 = tpu.vector_load %arg15[%swap3A_342, %swap3A_343] {strides = array<i32>} : memref<2x144xf32, #tpu.memory_space<vmem>>, vector<16xf32>,
      tpu.vector_store %arg15[%swap3A_342, %swap3A_343], %select_n3A_340 {strides = array<i32>} : memref<2x144xf32, #tpu.memory_space<vmem>>, vector<16xf32>,
      %jit3A_345 = arith.constant 0.000000e+00 : f32
      %broadcast_in_dim3A_346 = vector.broadcast %jit3A_345 : f32 to vector<16xf32>
      %select_n3A_347 = arith.select %lt3A_301, %exp3A_337, %broadcast_in_dim3A_346 : vector<16xi1>, vector<16xf32>
      %swap3A_348 = arith.constant 1 : i32
      %swap3A_349 = arith.index_cast %swap3A_348 : i32 to index
      %swap3A_350 = arith.constant 32 : index
      %swap3A_351 = tpu.vector_load %arg15[%swap3A_349, %swap3A_350] {strides = array<i32>} : memref<2x144xf32, #tpu.memory_space<vmem>>, vector<16xf32>,
      tpu.vector_store %arg15[%swap3A_349, %swap3A_350], %select_n3A_347 {strides = array<i32>} : memref<2x144xf32, #tpu.memory_space<vmem>>, vector<16xf32>,
      %get3A_352 = arith.constant 0 : i32
      %get3A_353 = arith.index_cast %get3A_352 : i32 to index
      %get3A_354 = arith.constant 48 : index
      %get3A_355 = tpu.vector_load %arg12[%get3A_353, %get3A_354] {strides = array<i32>} : memref<1x128xi32, #tpu.memory_space<vmem>>, vector<16xi32>,
      %get3A_356 = arith.constant 0 : i32
      %get3A_357 = arith.index_cast %get3A_356 : i32 to index
      %get3A_358 = arith.constant 48 : index
      %get3A_359 = tpu.vector_load %arg13[%get3A_357, %get3A_358] {strides = array<i32>} : memref<1x128xi32, #tpu.memory_space<vmem>>, vector<16xi32>,
      %add3A_360 = arith.constant 48 : i32
      %add3A_361 = vector.broadcast %add3A_360 : i32 to vector<16xi32>
      %add3A_362 = arith.addi %add3A_361, %iota3A : vector<16xi32>
      %gather3A_363 = tpu.vector_load_idx %arg14[%add3A_362, %broadcast_in_dim3A_3] : memref<128x144xf32, #tpu.memory_space<vmem>>[vector<16xi32>, vector<16xi32>], vector<16xf32>,
      %gather3A_364 = tpu.vector_load_idx %arg14[%add3A_362, %broadcast_in_dim3A_5] : memref<128x144xf32, #tpu.memory_space<vmem>>[vector<16xi32>, vector<16xi32>], vector<16xf32>,
      %mul3A_365 = arith.constant 2 : i32
      %mul3A_366 = vector.broadcast %mul3A_365 : i32 to vector<16xi32>
      %mul3A_367 = arith.muli %get3A_355, %mul3A_366 : vector<16xi32>
      %gather3A_368 = tpu.vector_load_idx %arg9[%mul3A_367] : memref<20000xf32, #tpu.memory_space<vmem>>[vector<16xi32>], vector<16xf32>,
      %mul3A_369 = arith.constant 2 : i32
      %mul3A_370 = vector.broadcast %mul3A_369 : i32 to vector<16xi32>
      %mul3A_371 = arith.muli %get3A_355, %mul3A_370 : vector<16xi32>
      %add3A_372 = arith.constant 1 : i32
      %add3A_373 = vector.broadcast %add3A_372 : i32 to vector<16xi32>
      %add3A_374 = arith.addi %mul3A_371, %add3A_373 : vector<16xi32>
      %gather3A_375 = tpu.vector_load_idx %arg9[%add3A_374] : memref<20000xf32, #tpu.memory_space<vmem>>[vector<16xi32>], vector<16xf32>,
      %mul3A_376 = arith.constant 2 : i32
      %mul3A_377 = vector.broadcast %mul3A_376 : i32 to vector<16xi32>
      %mul3A_378 = arith.muli %get3A_359, %mul3A_377 : vector<16xi32>
      %gather3A_379 = tpu.vector_load_idx %arg10[%mul3A_378] : memref<16xf32, #tpu.memory_space<vmem>>[vector<16xi32>], vector<16xf32>,
      %mul3A_380 = arith.constant 2 : i32
      %mul3A_381 = vector.broadcast %mul3A_380 : i32 to vector<16xi32>
      %mul3A_382 = arith.muli %get3A_359, %mul3A_381 : vector<16xi32>
      %add3A_383 = arith.constant 1 : i32
      %add3A_384 = vector.broadcast %add3A_383 : i32 to vector<16xi32>
      %add3A_385 = arith.addi %mul3A_382, %add3A_384 : vector<16xi32>
      %gather3A_386 = tpu.vector_load_idx %arg10[%add3A_385] : memref<16xf32, #tpu.memory_space<vmem>>[vector<16xi32>], vector<16xf32>,
      %add3A_387 = arith.constant 48 : i32
      %add3A_388 = arith.addi %add3A_84, %add3A_387 : i32
      %add3A_389 = vector.broadcast %add3A_388 : i32 to vector<16xi32>
      %add3A_390 = arith.addi %add3A_389, %iota3A : vector<16xi32>
      %lt3A_391 = arith.constant 160000 : i32
      %lt3A_392 = vector.broadcast %lt3A_391 : i32 to vector<16xi32>
      %lt3A_393 = arith.cmpi slt, %add3A_390, %lt3A_392 : vector<16xi32>
      %add3A_394 = arith.addf %gather3A_363, %gather3A_368 : vector<16xf32>
      %add3A_395 = arith.addf %add3A_394, %gather3A_379 : vector<16xf32>
      %gt3A_396 = arith.constant 0.000000e+00 : f32
      %gt3A_397 = vector.broadcast %gt3A_396 : f32 to vector<16xf32>
      %gt3A_398 = arith.cmpf ogt, %add3A_395, %gt3A_397 : vector<16xf32>
      %mul3A_399 = arith.constant 2.000000e-01 : f32
      %mul3A_400 = vector.broadcast %mul3A_399 : f32 to vector<16xf32>
      %mul3A_401 = arith.mulf %mul3A_400, %add3A_395 : vector<16xf32>
      %select_n3A_402 = arith.select %gt3A_398, %add3A_395, %mul3A_401 : vector<16xi1>, vector<16xf32>
      %gt3A_403 = arith.constant 0.000000e+00 : f32
      %gt3A_404 = vector.broadcast %gt3A_403 : f32 to vector<16xf32>
      %gt3A_405 = arith.cmpf ogt, %gather3A_368, %gt3A_404 : vector<16xf32>
      %mul3A_406 = arith.constant 2.000000e-01 : f32
      %mul3A_407 = vector.broadcast %mul3A_406 : f32 to vector<16xf32>
      %mul3A_408 = arith.mulf %mul3A_407, %gather3A_368 : vector<16xf32>
      %select_n3A_409 = arith.select %gt3A_405, %gather3A_368, %mul3A_408 : vector<16xi1>, vector<16xf32>
      %sub3A_410 = arith.subf %select_n3A_402, %select_n3A_409 : vector<16xf32>
      %exp3A_411 = math.exp %sub3A_410 : vector<16xf32>
      %add3A_412 = arith.addf %gather3A_364, %gather3A_375 : vector<16xf32>
      %add3A_413 = arith.addf %add3A_412, %gather3A_386 : vector<16xf32>
      %gt3A_414 = arith.constant 0.000000e+00 : f32
      %gt3A_415 = vector.broadcast %gt3A_414 : f32 to vector<16xf32>
      %gt3A_416 = arith.cmpf ogt, %add3A_413, %gt3A_415 : vector<16xf32>
      %mul3A_417 = arith.constant 2.000000e-01 : f32
      %mul3A_418 = vector.broadcast %mul3A_417 : f32 to vector<16xf32>
      %mul3A_419 = arith.mulf %mul3A_418, %add3A_413 : vector<16xf32>
      %select_n3A_420 = arith.select %gt3A_416, %add3A_413, %mul3A_419 : vector<16xi1>, vector<16xf32>
      %gt3A_421 = arith.constant 0.000000e+00 : f32
      %gt3A_422 = vector.broadcast %gt3A_421 : f32 to vector<16xf32>
      %gt3A_423 = arith.cmpf ogt, %gather3A_375, %gt3A_422 : vector<16xf32>
      %mul3A_424 = arith.constant 2.000000e-01 : f32
      %mul3A_425 = vector.broadcast %mul3A_424 : f32 to vector<16xf32>
      %mul3A_426 = arith.mulf %mul3A_425, %gather3A_375 : vector<16xf32>
      %select_n3A_427 = arith.select %gt3A_423, %gather3A_375, %mul3A_426 : vector<16xi1>, vector<16xf32>
      %sub3A_428 = arith.subf %select_n3A_420, %select_n3A_427 : vector<16xf32>
      %exp3A_429 = math.exp %sub3A_428 : vector<16xf32>
      %jit3A_430 = arith.constant 0.000000e+00 : f32
      %broadcast_in_dim3A_431 = vector.broadcast %jit3A_430 : f32 to vector<16xf32>
      %select_n3A_432 = arith.select %lt3A_393, %exp3A_411, %broadcast_in_dim3A_431 : vector<16xi1>, vector<16xf32>
      %swap3A_433 = arith.constant 0 : i32
      %swap3A_434 = arith.index_cast %swap3A_433 : i32 to index
      %swap3A_435 = arith.constant 48 : index
      %swap3A_436 = tpu.vector_load %arg15[%swap3A_434, %swap3A_435] {strides = array<i32>} : memref<2x144xf32, #tpu.memory_space<vmem>>, vector<16xf32>,
      tpu.vector_store %arg15[%swap3A_434, %swap3A_435], %select_n3A_432 {strides = array<i32>} : memref<2x144xf32, #tpu.memory_space<vmem>>, vector<16xf32>,
      %jit3A_437 = arith.constant 0.000000e+00 : f32
      %broadcast_in_dim3A_438 = vector.broadcast %jit3A_437 : f32 to vector<16xf32>
      %select_n3A_439 = arith.select %lt3A_393, %exp3A_429, %broadcast_in_dim3A_438 : vector<16xi1>, vector<16xf32>
      %swap3A_440 = arith.constant 1 : i32
      %swap3A_441 = arith.index_cast %swap3A_440 : i32 to index
      %swap3A_442 = arith.constant 48 : index
      %swap3A_443 = tpu.vector_load %arg15[%swap3A_441, %swap3A_442] {strides = array<i32>} : memref<2x144xf32, #tpu.memory_space<vmem>>, vector<16xf32>,
      tpu.vector_store %arg15[%swap3A_441, %swap3A_442], %select_n3A_439 {strides = array<i32>} : memref<2x144xf32, #tpu.memory_space<vmem>>, vector<16xf32>,
      %get3A_444 = arith.constant 0 : i32
      %get3A_445 = arith.index_cast %get3A_444 : i32 to index
      %get3A_446 = arith.constant 64 : index
      %get3A_447 = tpu.vector_load %arg12[%get3A_445, %get3A_446] {strides = array<i32>} : memref<1x128xi32, #tpu.memory_space<vmem>>, vector<16xi32>,
      %get3A_448 = arith.constant 0 : i32
      %get3A_449 = arith.index_cast %get3A_448 : i32 to index
      %get3A_450 = arith.constant 64 : index
      %get3A_451 = tpu.vector_load %arg13[%get3A_449, %get3A_450] {strides = array<i32>} : memref<1x128xi32, #tpu.memory_space<vmem>>, vector<16xi32>,
      %add3A_452 = arith.constant 64 : i32
      %add3A_453 = vector.broadcast %add3A_452 : i32 to vector<16xi32>
      %add3A_454 = arith.addi %add3A_453, %iota3A : vector<16xi32>
      %gather3A_455 = tpu.vector_load_idx %arg14[%add3A_454, %broadcast_in_dim3A_3] : memref<128x144xf32, #tpu.memory_space<vmem>>[vector<16xi32>, vector<16xi32>], vector<16xf32>,
      %gather3A_456 = tpu.vector_load_idx %arg14[%add3A_454, %broadcast_in_dim3A_5] : memref<128x144xf32, #tpu.memory_space<vmem>>[vector<16xi32>, vector<16xi32>], vector<16xf32>,
      %mul3A_457 = arith.constant 2 : i32
      %mul3A_458 = vector.broadcast %mul3A_457 : i32 to vector<16xi32>
      %mul3A_459 = arith.muli %get3A_447, %mul3A_458 : vector<16xi32>
      %gather3A_460 = tpu.vector_load_idx %arg9[%mul3A_459] : memref<20000xf32, #tpu.memory_space<vmem>>[vector<16xi32>], vector<16xf32>,
      %mul3A_461 = arith.constant 2 : i32
      %mul3A_462 = vector.broadcast %mul3A_461 : i32 to vector<16xi32>
      %mul3A_463 = arith.muli %get3A_447, %mul3A_462 : vector<16xi32>
      %add3A_464 = arith.constant 1 : i32
      %add3A_465 = vector.broadcast %add3A_464 : i32 to vector<16xi32>
      %add3A_466 = arith.addi %mul3A_463, %add3A_465 : vector<16xi32>
      %gather3A_467 = tpu.vector_load_idx %arg9[%add3A_466] : memref<20000xf32, #tpu.memory_space<vmem>>[vector<16xi32>], vector<16xf32>,
      %mul3A_468 = arith.constant 2 : i32
      %mul3A_469 = vector.broadcast %mul3A_468 : i32 to vector<16xi32>
      %mul3A_470 = arith.muli %get3A_451, %mul3A_469 : vector<16xi32>
      %gather3A_471 = tpu.vector_load_idx %arg10[%mul3A_470] : memref<16xf32, #tpu.memory_space<vmem>>[vector<16xi32>], vector<16xf32>,
      %mul3A_472 = arith.constant 2 : i32
      %mul3A_473 = vector.broadcast %mul3A_472 : i32 to vector<16xi32>
      %mul3A_474 = arith.muli %get3A_451, %mul3A_473 : vector<16xi32>
      %add3A_475 = arith.constant 1 : i32
      %add3A_476 = vector.broadcast %add3A_475 : i32 to vector<16xi32>
      %add3A_477 = arith.addi %mul3A_474, %add3A_476 : vector<16xi32>
      %gather3A_478 = tpu.vector_load_idx %arg10[%add3A_477] : memref<16xf32, #tpu.memory_space<vmem>>[vector<16xi32>], vector<16xf32>,
      %add3A_479 = arith.constant 64 : i32
      %add3A_480 = arith.addi %add3A_84, %add3A_479 : i32
      %add3A_481 = vector.broadcast %add3A_480 : i32 to vector<16xi32>
      %add3A_482 = arith.addi %add3A_481, %iota3A : vector<16xi32>
      %lt3A_483 = arith.constant 160000 : i32
      %lt3A_484 = vector.broadcast %lt3A_483 : i32 to vector<16xi32>
      %lt3A_485 = arith.cmpi slt, %add3A_482, %lt3A_484 : vector<16xi32>
      %add3A_486 = arith.addf %gather3A_455, %gather3A_460 : vector<16xf32>
      %add3A_487 = arith.addf %add3A_486, %gather3A_471 : vector<16xf32>
      %gt3A_488 = arith.constant 0.000000e+00 : f32
      %gt3A_489 = vector.broadcast %gt3A_488 : f32 to vector<16xf32>
      %gt3A_490 = arith.cmpf ogt, %add3A_487, %gt3A_489 : vector<16xf32>
      %mul3A_491 = arith.constant 2.000000e-01 : f32
      %mul3A_492 = vector.broadcast %mul3A_491 : f32 to vector<16xf32>
      %mul3A_493 = arith.mulf %mul3A_492, %add3A_487 : vector<16xf32>
      %select_n3A_494 = arith.select %gt3A_490, %add3A_487, %mul3A_493 : vector<16xi1>, vector<16xf32>
      %gt3A_495 = arith.constant 0.000000e+00 : f32
      %gt3A_496 = vector.broadcast %gt3A_495 : f32 to vector<16xf32>
      %gt3A_497 = arith.cmpf ogt, %gather3A_460, %gt3A_496 : vector<16xf32>
      %mul3A_498 = arith.constant 2.000000e-01 : f32
      %mul3A_499 = vector.broadcast %mul3A_498 : f32 to vector<16xf32>
      %mul3A_500 = arith.mulf %mul3A_499, %gather3A_460 : vector<16xf32>
      %select_n3A_501 = arith.select %gt3A_497, %gather3A_460, %mul3A_500 : vector<16xi1>, vector<16xf32>
      %sub3A_502 = arith.subf %select_n3A_494, %select_n3A_501 : vector<16xf32>
      %exp3A_503 = math.exp %sub3A_502 : vector<16xf32>
      %add3A_504 = arith.addf %gather3A_456, %gather3A_467 : vector<16xf32>
      %add3A_505 = arith.addf %add3A_504, %gather3A_478 : vector<16xf32>
      %gt3A_506 = arith.constant 0.000000e+00 : f32
      %gt3A_507 = vector.broadcast %gt3A_506 : f32 to vector<16xf32>
      %gt3A_508 = arith.cmpf ogt, %add3A_505, %gt3A_507 : vector<16xf32>
      %mul3A_509 = arith.constant 2.000000e-01 : f32
      %mul3A_510 = vector.broadcast %mul3A_509 : f32 to vector<16xf32>
      %mul3A_511 = arith.mulf %mul3A_510, %add3A_505 : vector<16xf32>
      %select_n3A_512 = arith.select %gt3A_508, %add3A_505, %mul3A_511 : vector<16xi1>, vector<16xf32>
      %gt3A_513 = arith.constant 0.000000e+00 : f32
      %gt3A_514 = vector.broadcast %gt3A_513 : f32 to vector<16xf32>
      %gt3A_515 = arith.cmpf ogt, %gather3A_467, %gt3A_514 : vector<16xf32>
      %mul3A_516 = arith.constant 2.000000e-01 : f32
      %mul3A_517 = vector.broadcast %mul3A_516 : f32 to vector<16xf32>
      %mul3A_518 = arith.mulf %mul3A_517, %gather3A_467 : vector<16xf32>
      %select_n3A_519 = arith.select %gt3A_515, %gather3A_467, %mul3A_518 : vector<16xi1>, vector<16xf32>
      %sub3A_520 = arith.subf %select_n3A_512, %select_n3A_519 : vector<16xf32>
      %exp3A_521 = math.exp %sub3A_520 : vector<16xf32>
      %jit3A_522 = arith.constant 0.000000e+00 : f32
      %broadcast_in_dim3A_523 = vector.broadcast %jit3A_522 : f32 to vector<16xf32>
      %select_n3A_524 = arith.select %lt3A_485, %exp3A_503, %broadcast_in_dim3A_523 : vector<16xi1>, vector<16xf32>
      %swap3A_525 = arith.constant 0 : i32
      %swap3A_526 = arith.index_cast %swap3A_525 : i32 to index
      %swap3A_527 = arith.constant 64 : index
      %swap3A_528 = tpu.vector_load %arg15[%swap3A_526, %swap3A_527] {strides = array<i32>} : memref<2x144xf32, #tpu.memory_space<vmem>>, vector<16xf32>,
      tpu.vector_store %arg15[%swap3A_526, %swap3A_527], %select_n3A_524 {strides = array<i32>} : memref<2x144xf32, #tpu.memory_space<vmem>>, vector<16xf32>,
      %jit3A_529 = arith.constant 0.000000e+00 : f32
      %broadcast_in_dim3A_530 = vector.broadcast %jit3A_529 : f32 to vector<16xf32>
      %select_n3A_531 = arith.select %lt3A_485, %exp3A_521, %broadcast_in_dim3A_530 : vector<16xi1>, vector<16xf32>
      %swap3A_532 = arith.constant 1 : i32
      %swap3A_533 = arith.index_cast %swap3A_532 : i32 to index
      %swap3A_534 = arith.constant 64 : index
      %swap3A_535 = tpu.vector_load %arg15[%swap3A_533, %swap3A_534] {strides = array<i32>} : memref<2x144xf32, #tpu.memory_space<vmem>>, vector<16xf32>,
      tpu.vector_store %arg15[%swap3A_533, %swap3A_534], %select_n3A_531 {strides = array<i32>} : memref<2x144xf32, #tpu.memory_space<vmem>>, vector<16xf32>,
      %get3A_536 = arith.constant 0 : i32
      %get3A_537 = arith.index_cast %get3A_536 : i32 to index
      %get3A_538 = arith.constant 80 : index
      %get3A_539 = tpu.vector_load %arg12[%get3A_537, %get3A_538] {strides = array<i32>} : memref<1x128xi32, #tpu.memory_space<vmem>>, vector<16xi32>,
      %get3A_540 = arith.constant 0 : i32
      %get3A_541 = arith.index_cast %get3A_540 : i32 to index
      %get3A_542 = arith.constant 80 : index
      %get3A_543 = tpu.vector_load %arg13[%get3A_541, %get3A_542] {strides = array<i32>} : memref<1x128xi32, #tpu.memory_space<vmem>>, vector<16xi32>,
      %add3A_544 = arith.constant 80 : i32
      %add3A_545 = vector.broadcast %add3A_544 : i32 to vector<16xi32>
      %add3A_546 = arith.addi %add3A_545, %iota3A : vector<16xi32>
      %gather3A_547 = tpu.vector_load_idx %arg14[%add3A_546, %broadcast_in_dim3A_3] : memref<128x144xf32, #tpu.memory_space<vmem>>[vector<16xi32>, vector<16xi32>], vector<16xf32>,
      %gather3A_548 = tpu.vector_load_idx %arg14[%add3A_546, %broadcast_in_dim3A_5] : memref<128x144xf32, #tpu.memory_space<vmem>>[vector<16xi32>, vector<16xi32>], vector<16xf32>,
      %mul3A_549 = arith.constant 2 : i32
      %mul3A_550 = vector.broadcast %mul3A_549 : i32 to vector<16xi32>
      %mul3A_551 = arith.muli %get3A_539, %mul3A_550 : vector<16xi32>
      %gather3A_552 = tpu.vector_load_idx %arg9[%mul3A_551] : memref<20000xf32, #tpu.memory_space<vmem>>[vector<16xi32>], vector<16xf32>,
      %mul3A_553 = arith.constant 2 : i32
      %mul3A_554 = vector.broadcast %mul3A_553 : i32 to vector<16xi32>
      %mul3A_555 = arith.muli %get3A_539, %mul3A_554 : vector<16xi32>
      %add3A_556 = arith.constant 1 : i32
      %add3A_557 = vector.broadcast %add3A_556 : i32 to vector<16xi32>
      %add3A_558 = arith.addi %mul3A_555, %add3A_557 : vector<16xi32>
      %gather3A_559 = tpu.vector_load_idx %arg9[%add3A_558] : memref<20000xf32, #tpu.memory_space<vmem>>[vector<16xi32>], vector<16xf32>,
      %mul3A_560 = arith.constant 2 : i32
      %mul3A_561 = vector.broadcast %mul3A_560 : i32 to vector<16xi32>
      %mul3A_562 = arith.muli %get3A_543, %mul3A_561 : vector<16xi32>
      %gather3A_563 = tpu.vector_load_idx %arg10[%mul3A_562] : memref<16xf32, #tpu.memory_space<vmem>>[vector<16xi32>], vector<16xf32>,
      %mul3A_564 = arith.constant 2 : i32
      %mul3A_565 = vector.broadcast %mul3A_564 : i32 to vector<16xi32>
      %mul3A_566 = arith.muli %get3A_543, %mul3A_565 : vector<16xi32>
      %add3A_567 = arith.constant 1 : i32
      %add3A_568 = vector.broadcast %add3A_567 : i32 to vector<16xi32>
      %add3A_569 = arith.addi %mul3A_566, %add3A_568 : vector<16xi32>
      %gather3A_570 = tpu.vector_load_idx %arg10[%add3A_569] : memref<16xf32, #tpu.memory_space<vmem>>[vector<16xi32>], vector<16xf32>,
      %add3A_571 = arith.constant 80 : i32
      %add3A_572 = arith.addi %add3A_84, %add3A_571 : i32
      %add3A_573 = vector.broadcast %add3A_572 : i32 to vector<16xi32>
      %add3A_574 = arith.addi %add3A_573, %iota3A : vector<16xi32>
      %lt3A_575 = arith.constant 160000 : i32
      %lt3A_576 = vector.broadcast %lt3A_575 : i32 to vector<16xi32>
      %lt3A_577 = arith.cmpi slt, %add3A_574, %lt3A_576 : vector<16xi32>
      %add3A_578 = arith.addf %gather3A_547, %gather3A_552 : vector<16xf32>
      %add3A_579 = arith.addf %add3A_578, %gather3A_563 : vector<16xf32>
      %gt3A_580 = arith.constant 0.000000e+00 : f32
      %gt3A_581 = vector.broadcast %gt3A_580 : f32 to vector<16xf32>
      %gt3A_582 = arith.cmpf ogt, %add3A_579, %gt3A_581 : vector<16xf32>
      %mul3A_583 = arith.constant 2.000000e-01 : f32
      %mul3A_584 = vector.broadcast %mul3A_583 : f32 to vector<16xf32>
      %mul3A_585 = arith.mulf %mul3A_584, %add3A_579 : vector<16xf32>
      %select_n3A_586 = arith.select %gt3A_582, %add3A_579, %mul3A_585 : vector<16xi1>, vector<16xf32>
      %gt3A_587 = arith.constant 0.000000e+00 : f32
      %gt3A_588 = vector.broadcast %gt3A_587 : f32 to vector<16xf32>
      %gt3A_589 = arith.cmpf ogt, %gather3A_552, %gt3A_588 : vector<16xf32>
      %mul3A_590 = arith.constant 2.000000e-01 : f32
      %mul3A_591 = vector.broadcast %mul3A_590 : f32 to vector<16xf32>
      %mul3A_592 = arith.mulf %mul3A_591, %gather3A_552 : vector<16xf32>
      %select_n3A_593 = arith.select %gt3A_589, %gather3A_552, %mul3A_592 : vector<16xi1>, vector<16xf32>
      %sub3A_594 = arith.subf %select_n3A_586, %select_n3A_593 : vector<16xf32>
      %exp3A_595 = math.exp %sub3A_594 : vector<16xf32>
      %add3A_596 = arith.addf %gather3A_548, %gather3A_559 : vector<16xf32>
      %add3A_597 = arith.addf %add3A_596, %gather3A_570 : vector<16xf32>
      %gt3A_598 = arith.constant 0.000000e+00 : f32
      %gt3A_599 = vector.broadcast %gt3A_598 : f32 to vector<16xf32>
      %gt3A_600 = arith.cmpf ogt, %add3A_597, %gt3A_599 : vector<16xf32>
      %mul3A_601 = arith.constant 2.000000e-01 : f32
      %mul3A_602 = vector.broadcast %mul3A_601 : f32 to vector<16xf32>
      %mul3A_603 = arith.mulf %mul3A_602, %add3A_597 : vector<16xf32>
      %select_n3A_604 = arith.select %gt3A_600, %add3A_597, %mul3A_603 : vector<16xi1>, vector<16xf32>
      %gt3A_605 = arith.constant 0.000000e+00 : f32
      %gt3A_606 = vector.broadcast %gt3A_605 : f32 to vector<16xf32>
      %gt3A_607 = arith.cmpf ogt, %gather3A_559, %gt3A_606 : vector<16xf32>
      %mul3A_608 = arith.constant 2.000000e-01 : f32
      %mul3A_609 = vector.broadcast %mul3A_608 : f32 to vector<16xf32>
      %mul3A_610 = arith.mulf %mul3A_609, %gather3A_559 : vector<16xf32>
      %select_n3A_611 = arith.select %gt3A_607, %gather3A_559, %mul3A_610 : vector<16xi1>, vector<16xf32>
      %sub3A_612 = arith.subf %select_n3A_604, %select_n3A_611 : vector<16xf32>
      %exp3A_613 = math.exp %sub3A_612 : vector<16xf32>
      %jit3A_614 = arith.constant 0.000000e+00 : f32
      %broadcast_in_dim3A_615 = vector.broadcast %jit3A_614 : f32 to vector<16xf32>
      %select_n3A_616 = arith.select %lt3A_577, %exp3A_595, %broadcast_in_dim3A_615 : vector<16xi1>, vector<16xf32>
      %swap3A_617 = arith.constant 0 : i32
      %swap3A_618 = arith.index_cast %swap3A_617 : i32 to index
      %swap3A_619 = arith.constant 80 : index
      %swap3A_620 = tpu.vector_load %arg15[%swap3A_618, %swap3A_619] {strides = array<i32>} : memref<2x144xf32, #tpu.memory_space<vmem>>, vector<16xf32>,
      tpu.vector_store %arg15[%swap3A_618, %swap3A_619], %select_n3A_616 {strides = array<i32>} : memref<2x144xf32, #tpu.memory_space<vmem>>, vector<16xf32>,
      %jit3A_621 = arith.constant 0.000000e+00 : f32
      %broadcast_in_dim3A_622 = vector.broadcast %jit3A_621 : f32 to vector<16xf32>
      %select_n3A_623 = arith.select %lt3A_577, %exp3A_613, %broadcast_in_dim3A_622 : vector<16xi1>, vector<16xf32>
      %swap3A_624 = arith.constant 1 : i32
      %swap3A_625 = arith.index_cast %swap3A_624 : i32 to index
      %swap3A_626 = arith.constant 80 : index
      %swap3A_627 = tpu.vector_load %arg15[%swap3A_625, %swap3A_626] {strides = array<i32>} : memref<2x144xf32, #tpu.memory_space<vmem>>, vector<16xf32>,
      tpu.vector_store %arg15[%swap3A_625, %swap3A_626], %select_n3A_623 {strides = array<i32>} : memref<2x144xf32, #tpu.memory_space<vmem>>, vector<16xf32>,
      %get3A_628 = arith.constant 0 : i32
      %get3A_629 = arith.index_cast %get3A_628 : i32 to index
      %get3A_630 = arith.constant 96 : index
      %get3A_631 = tpu.vector_load %arg12[%get3A_629, %get3A_630] {strides = array<i32>} : memref<1x128xi32, #tpu.memory_space<vmem>>, vector<16xi32>,
      %get3A_632 = arith.constant 0 : i32
      %get3A_633 = arith.index_cast %get3A_632 : i32 to index
      %get3A_634 = arith.constant 96 : index
      %get3A_635 = tpu.vector_load %arg13[%get3A_633, %get3A_634] {strides = array<i32>} : memref<1x128xi32, #tpu.memory_space<vmem>>, vector<16xi32>,
      %add3A_636 = arith.constant 96 : i32
      %add3A_637 = vector.broadcast %add3A_636 : i32 to vector<16xi32>
      %add3A_638 = arith.addi %add3A_637, %iota3A : vector<16xi32>
      %gather3A_639 = tpu.vector_load_idx %arg14[%add3A_638, %broadcast_in_dim3A_3] : memref<128x144xf32, #tpu.memory_space<vmem>>[vector<16xi32>, vector<16xi32>], vector<16xf32>,
      %gather3A_640 = tpu.vector_load_idx %arg14[%add3A_638, %broadcast_in_dim3A_5] : memref<128x144xf32, #tpu.memory_space<vmem>>[vector<16xi32>, vector<16xi32>], vector<16xf32>,
      %mul3A_641 = arith.constant 2 : i32
      %mul3A_642 = vector.broadcast %mul3A_641 : i32 to vector<16xi32>
      %mul3A_643 = arith.muli %get3A_631, %mul3A_642 : vector<16xi32>
      %gather3A_644 = tpu.vector_load_idx %arg9[%mul3A_643] : memref<20000xf32, #tpu.memory_space<vmem>>[vector<16xi32>], vector<16xf32>,
      %mul3A_645 = arith.constant 2 : i32
      %mul3A_646 = vector.broadcast %mul3A_645 : i32 to vector<16xi32>
      %mul3A_647 = arith.muli %get3A_631, %mul3A_646 : vector<16xi32>
      %add3A_648 = arith.constant 1 : i32
      %add3A_649 = vector.broadcast %add3A_648 : i32 to vector<16xi32>
      %add3A_650 = arith.addi %mul3A_647, %add3A_649 : vector<16xi32>
      %gather3A_651 = tpu.vector_load_idx %arg9[%add3A_650] : memref<20000xf32, #tpu.memory_space<vmem>>[vector<16xi32>], vector<16xf32>,
      %mul3A_652 = arith.constant 2 : i32
      %mul3A_653 = vector.broadcast %mul3A_652 : i32 to vector<16xi32>
      %mul3A_654 = arith.muli %get3A_635, %mul3A_653 : vector<16xi32>
      %gather3A_655 = tpu.vector_load_idx %arg10[%mul3A_654] : memref<16xf32, #tpu.memory_space<vmem>>[vector<16xi32>], vector<16xf32>,
      %mul3A_656 = arith.constant 2 : i32
      %mul3A_657 = vector.broadcast %mul3A_656 : i32 to vector<16xi32>
      %mul3A_658 = arith.muli %get3A_635, %mul3A_657 : vector<16xi32>
      %add3A_659 = arith.constant 1 : i32
      %add3A_660 = vector.broadcast %add3A_659 : i32 to vector<16xi32>
      %add3A_661 = arith.addi %mul3A_658, %add3A_660 : vector<16xi32>
      %gather3A_662 = tpu.vector_load_idx %arg10[%add3A_661] : memref<16xf32, #tpu.memory_space<vmem>>[vector<16xi32>], vector<16xf32>,
      %add3A_663 = arith.constant 96 : i32
      %add3A_664 = arith.addi %add3A_84, %add3A_663 : i32
      %add3A_665 = vector.broadcast %add3A_664 : i32 to vector<16xi32>
      %add3A_666 = arith.addi %add3A_665, %iota3A : vector<16xi32>
      %lt3A_667 = arith.constant 160000 : i32
      %lt3A_668 = vector.broadcast %lt3A_667 : i32 to vector<16xi32>
      %lt3A_669 = arith.cmpi slt, %add3A_666, %lt3A_668 : vector<16xi32>
      %add3A_670 = arith.addf %gather3A_639, %gather3A_644 : vector<16xf32>
      %add3A_671 = arith.addf %add3A_670, %gather3A_655 : vector<16xf32>
      %gt3A_672 = arith.constant 0.000000e+00 : f32
      %gt3A_673 = vector.broadcast %gt3A_672 : f32 to vector<16xf32>
      %gt3A_674 = arith.cmpf ogt, %add3A_671, %gt3A_673 : vector<16xf32>
      %mul3A_675 = arith.constant 2.000000e-01 : f32
      %mul3A_676 = vector.broadcast %mul3A_675 : f32 to vector<16xf32>
      %mul3A_677 = arith.mulf %mul3A_676, %add3A_671 : vector<16xf32>
      %select_n3A_678 = arith.select %gt3A_674, %add3A_671, %mul3A_677 : vector<16xi1>, vector<16xf32>
      %gt3A_679 = arith.constant 0.000000e+00 : f32
      %gt3A_680 = vector.broadcast %gt3A_679 : f32 to vector<16xf32>
      %gt3A_681 = arith.cmpf ogt, %gather3A_644, %gt3A_680 : vector<16xf32>
      %mul3A_682 = arith.constant 2.000000e-01 : f32
      %mul3A_683 = vector.broadcast %mul3A_682 : f32 to vector<16xf32>
      %mul3A_684 = arith.mulf %mul3A_683, %gather3A_644 : vector<16xf32>
      %select_n3A_685 = arith.select %gt3A_681, %gather3A_644, %mul3A_684 : vector<16xi1>, vector<16xf32>
      %sub3A_686 = arith.subf %select_n3A_678, %select_n3A_685 : vector<16xf32>
      %exp3A_687 = math.exp %sub3A_686 : vector<16xf32>
      %add3A_688 = arith.addf %gather3A_640, %gather3A_651 : vector<16xf32>
      %add3A_689 = arith.addf %add3A_688, %gather3A_662 : vector<16xf32>
      %gt3A_690 = arith.constant 0.000000e+00 : f32
      %gt3A_691 = vector.broadcast %gt3A_690 : f32 to vector<16xf32>
      %gt3A_692 = arith.cmpf ogt, %add3A_689, %gt3A_691 : vector<16xf32>
      %mul3A_693 = arith.constant 2.000000e-01 : f32
      %mul3A_694 = vector.broadcast %mul3A_693 : f32 to vector<16xf32>
      %mul3A_695 = arith.mulf %mul3A_694, %add3A_689 : vector<16xf32>
      %select_n3A_696 = arith.select %gt3A_692, %add3A_689, %mul3A_695 : vector<16xi1>, vector<16xf32>
      %gt3A_697 = arith.constant 0.000000e+00 : f32
      %gt3A_698 = vector.broadcast %gt3A_697 : f32 to vector<16xf32>
      %gt3A_699 = arith.cmpf ogt, %gather3A_651, %gt3A_698 : vector<16xf32>
      %mul3A_700 = arith.constant 2.000000e-01 : f32
      %mul3A_701 = vector.broadcast %mul3A_700 : f32 to vector<16xf32>
      %mul3A_702 = arith.mulf %mul3A_701, %gather3A_651 : vector<16xf32>
      %select_n3A_703 = arith.select %gt3A_699, %gather3A_651, %mul3A_702 : vector<16xi1>, vector<16xf32>
      %sub3A_704 = arith.subf %select_n3A_696, %select_n3A_703 : vector<16xf32>
      %exp3A_705 = math.exp %sub3A_704 : vector<16xf32>
      %jit3A_706 = arith.constant 0.000000e+00 : f32
      %broadcast_in_dim3A_707 = vector.broadcast %jit3A_706 : f32 to vector<16xf32>
      %select_n3A_708 = arith.select %lt3A_669, %exp3A_687, %broadcast_in_dim3A_707 : vector<16xi1>, vector<16xf32>
      %swap3A_709 = arith.constant 0 : i32
      %swap3A_710 = arith.index_cast %swap3A_709 : i32 to index
      %swap3A_711 = arith.constant 96 : index
      %swap3A_712 = tpu.vector_load %arg15[%swap3A_710, %swap3A_711] {strides = array<i32>} : memref<2x144xf32, #tpu.memory_space<vmem>>, vector<16xf32>,
      tpu.vector_store %arg15[%swap3A_710, %swap3A_711], %select_n3A_708 {strides = array<i32>} : memref<2x144xf32, #tpu.memory_space<vmem>>, vector<16xf32>,
      %jit3A_713 = arith.constant 0.000000e+00 : f32
      %broadcast_in_dim3A_714 = vector.broadcast %jit3A_713 : f32 to vector<16xf32>
      %select_n3A_715 = arith.select %lt3A_669, %exp3A_705, %broadcast_in_dim3A_714 : vector<16xi1>, vector<16xf32>
      %swap3A_716 = arith.constant 1 : i32
      %swap3A_717 = arith.index_cast %swap3A_716 : i32 to index
      %swap3A_718 = arith.constant 96 : index
      %swap3A_719 = tpu.vector_load %arg15[%swap3A_717, %swap3A_718] {strides = array<i32>} : memref<2x144xf32, #tpu.memory_space<vmem>>, vector<16xf32>,
      tpu.vector_store %arg15[%swap3A_717, %swap3A_718], %select_n3A_715 {strides = array<i32>} : memref<2x144xf32, #tpu.memory_space<vmem>>, vector<16xf32>,
      %get3A_720 = arith.constant 0 : i32
      %get3A_721 = arith.index_cast %get3A_720 : i32 to index
      %get3A_722 = arith.constant 112 : index
      %get3A_723 = tpu.vector_load %arg12[%get3A_721, %get3A_722] {strides = array<i32>} : memref<1x128xi32, #tpu.memory_space<vmem>>, vector<16xi32>,
      %get3A_724 = arith.constant 0 : i32
      %get3A_725 = arith.index_cast %get3A_724 : i32 to index
      %get3A_726 = arith.constant 112 : index
      %get3A_727 = tpu.vector_load %arg13[%get3A_725, %get3A_726] {strides = array<i32>} : memref<1x128xi32, #tpu.memory_space<vmem>>, vector<16xi32>,
      %add3A_728 = arith.constant 112 : i32
      %add3A_729 = vector.broadcast %add3A_728 : i32 to vector<16xi32>
      %add3A_730 = arith.addi %add3A_729, %iota3A : vector<16xi32>
      %gather3A_731 = tpu.vector_load_idx %arg14[%add3A_730, %broadcast_in_dim3A_3] : memref<128x144xf32, #tpu.memory_space<vmem>>[vector<16xi32>, vector<16xi32>], vector<16xf32>,
      %gather3A_732 = tpu.vector_load_idx %arg14[%add3A_730, %broadcast_in_dim3A_5] : memref<128x144xf32, #tpu.memory_space<vmem>>[vector<16xi32>, vector<16xi32>], vector<16xf32>,
      %mul3A_733 = arith.constant 2 : i32
      %mul3A_734 = vector.broadcast %mul3A_733 : i32 to vector<16xi32>
      %mul3A_735 = arith.muli %get3A_723, %mul3A_734 : vector<16xi32>
      %gather3A_736 = tpu.vector_load_idx %arg9[%mul3A_735] : memref<20000xf32, #tpu.memory_space<vmem>>[vector<16xi32>], vector<16xf32>,
      %mul3A_737 = arith.constant 2 : i32
      %mul3A_738 = vector.broadcast %mul3A_737 : i32 to vector<16xi32>
      %mul3A_739 = arith.muli %get3A_723, %mul3A_738 : vector<16xi32>
      %add3A_740 = arith.constant 1 : i32
      %add3A_741 = vector.broadcast %add3A_740 : i32 to vector<16xi32>
      %add3A_742 = arith.addi %mul3A_739, %add3A_741 : vector<16xi32>
      %gather3A_743 = tpu.vector_load_idx %arg9[%add3A_742] : memref<20000xf32, #tpu.memory_space<vmem>>[vector<16xi32>], vector<16xf32>,
      %mul3A_744 = arith.constant 2 : i32
      %mul3A_745 = vector.broadcast %mul3A_744 : i32 to vector<16xi32>
      %mul3A_746 = arith.muli %get3A_727, %mul3A_745 : vector<16xi32>
      %gather3A_747 = tpu.vector_load_idx %arg10[%mul3A_746] : memref<16xf32, #tpu.memory_space<vmem>>[vector<16xi32>], vector<16xf32>,
      %mul3A_748 = arith.constant 2 : i32
      %mul3A_749 = vector.broadcast %mul3A_748 : i32 to vector<16xi32>
      %mul3A_750 = arith.muli %get3A_727, %mul3A_749 : vector<16xi32>
      %add3A_751 = arith.constant 1 : i32
      %add3A_752 = vector.broadcast %add3A_751 : i32 to vector<16xi32>
      %add3A_753 = arith.addi %mul3A_750, %add3A_752 : vector<16xi32>
      %gather3A_754 = tpu.vector_load_idx %arg10[%add3A_753] : memref<16xf32, #tpu.memory_space<vmem>>[vector<16xi32>], vector<16xf32>,
      %add3A_755 = arith.constant 112 : i32
      %add3A_756 = arith.addi %add3A_84, %add3A_755 : i32
      %add3A_757 = vector.broadcast %add3A_756 : i32 to vector<16xi32>
      %add3A_758 = arith.addi %add3A_757, %iota3A : vector<16xi32>
      %lt3A_759 = arith.constant 160000 : i32
      %lt3A_760 = vector.broadcast %lt3A_759 : i32 to vector<16xi32>
      %lt3A_761 = arith.cmpi slt, %add3A_758, %lt3A_760 : vector<16xi32>
      %add3A_762 = arith.addf %gather3A_731, %gather3A_736 : vector<16xf32>
      %add3A_763 = arith.addf %add3A_762, %gather3A_747 : vector<16xf32>
      %gt3A_764 = arith.constant 0.000000e+00 : f32
      %gt3A_765 = vector.broadcast %gt3A_764 : f32 to vector<16xf32>
      %gt3A_766 = arith.cmpf ogt, %add3A_763, %gt3A_765 : vector<16xf32>
      %mul3A_767 = arith.constant 2.000000e-01 : f32
      %mul3A_768 = vector.broadcast %mul3A_767 : f32 to vector<16xf32>
      %mul3A_769 = arith.mulf %mul3A_768, %add3A_763 : vector<16xf32>
      %select_n3A_770 = arith.select %gt3A_766, %add3A_763, %mul3A_769 : vector<16xi1>, vector<16xf32>
      %gt3A_771 = arith.constant 0.000000e+00 : f32
      %gt3A_772 = vector.broadcast %gt3A_771 : f32 to vector<16xf32>
      %gt3A_773 = arith.cmpf ogt, %gather3A_736, %gt3A_772 : vector<16xf32>
      %mul3A_774 = arith.constant 2.000000e-01 : f32
      %mul3A_775 = vector.broadcast %mul3A_774 : f32 to vector<16xf32>
      %mul3A_776 = arith.mulf %mul3A_775, %gather3A_736 : vector<16xf32>
      %select_n3A_777 = arith.select %gt3A_773, %gather3A_736, %mul3A_776 : vector<16xi1>, vector<16xf32>
      %sub3A_778 = arith.subf %select_n3A_770, %select_n3A_777 : vector<16xf32>
      %exp3A_779 = math.exp %sub3A_778 : vector<16xf32>
      %add3A_780 = arith.addf %gather3A_732, %gather3A_743 : vector<16xf32>
      %add3A_781 = arith.addf %add3A_780, %gather3A_754 : vector<16xf32>
      %gt3A_782 = arith.constant 0.000000e+00 : f32
      %gt3A_783 = vector.broadcast %gt3A_782 : f32 to vector<16xf32>
      %gt3A_784 = arith.cmpf ogt, %add3A_781, %gt3A_783 : vector<16xf32>
      %mul3A_785 = arith.constant 2.000000e-01 : f32
      %mul3A_786 = vector.broadcast %mul3A_785 : f32 to vector<16xf32>
      %mul3A_787 = arith.mulf %mul3A_786, %add3A_781 : vector<16xf32>
      %select_n3A_788 = arith.select %gt3A_784, %add3A_781, %mul3A_787 : vector<16xi1>, vector<16xf32>
      %gt3A_789 = arith.constant 0.000000e+00 : f32
      %gt3A_790 = vector.broadcast %gt3A_789 : f32 to vector<16xf32>
      %gt3A_791 = arith.cmpf ogt, %gather3A_743, %gt3A_790 : vector<16xf32>
      %mul3A_792 = arith.constant 2.000000e-01 : f32
      %mul3A_793 = vector.broadcast %mul3A_792 : f32 to vector<16xf32>
      %mul3A_794 = arith.mulf %mul3A_793, %gather3A_743 : vector<16xf32>
      %select_n3A_795 = arith.select %gt3A_791, %gather3A_743, %mul3A_794 : vector<16xi1>, vector<16xf32>
      %sub3A_796 = arith.subf %select_n3A_788, %select_n3A_795 : vector<16xf32>
      %exp3A_797 = math.exp %sub3A_796 : vector<16xf32>
      %jit3A_798 = arith.constant 0.000000e+00 : f32
      %broadcast_in_dim3A_799 = vector.broadcast %jit3A_798 : f32 to vector<16xf32>
      %select_n3A_800 = arith.select %lt3A_761, %exp3A_779, %broadcast_in_dim3A_799 : vector<16xi1>, vector<16xf32>
      %swap3A_801 = arith.constant 0 : i32
      %swap3A_802 = arith.index_cast %swap3A_801 : i32 to index
      %swap3A_803 = arith.constant 112 : index
      %swap3A_804 = tpu.vector_load %arg15[%swap3A_802, %swap3A_803] {strides = array<i32>} : memref<2x144xf32, #tpu.memory_space<vmem>>, vector<16xf32>,
      tpu.vector_store %arg15[%swap3A_802, %swap3A_803], %select_n3A_800 {strides = array<i32>} : memref<2x144xf32, #tpu.memory_space<vmem>>, vector<16xf32>,
      %jit3A_805 = arith.constant 0.000000e+00 : f32
      %broadcast_in_dim3A_806 = vector.broadcast %jit3A_805 : f32 to vector<16xf32>
      %select_n3A_807 = arith.select %lt3A_761, %exp3A_797, %broadcast_in_dim3A_806 : vector<16xi1>, vector<16xf32>
      %swap3A_808 = arith.constant 1 : i32
      %swap3A_809 = arith.index_cast %swap3A_808 : i32 to index
      %swap3A_810 = arith.constant 112 : index
      %swap3A_811 = tpu.vector_load %arg15[%swap3A_809, %swap3A_810] {strides = array<i32>} : memref<2x144xf32, #tpu.memory_space<vmem>>, vector<16xf32>,
      tpu.vector_store %arg15[%swap3A_809, %swap3A_810], %select_n3A_807 {strides = array<i32>} : memref<2x144xf32, #tpu.memory_space<vmem>>, vector<16xf32>,
      %scan3A_812 = arith.constant 0 : i32
      %scan3A_813 = arith.constant 0 : i32
      %scan3A_814 = arith.constant 128 : i32
      %scan3A_815 = arith.addi %scan3A_813, %scan3A_814 : i32
      %scan3A_816 = arith.constant 1 : i32
      scf.for %scan3A_818 = %scan3A_813 to %scan3A_815 step %scan3A_816  : i32 {
        %get3A_819 = arith.constant 0 : i32
        %get3A_820 = arith.index_cast %get3A_819 : i32 to index
        %get3A_821 = arith.index_cast %scan3A_818 : i32 to index
        %get3A_822 = tpu.vector_load %arg15[%get3A_820, %get3A_821] {strides = array<i32>} : memref<2x144xf32, #tpu.memory_space<vmem>>, vector<16xf32>,
        %slice3A = vector.extract_strided_slice %get3A_822 {offsets = [0], sizes = [1], strides = [1]} : vector<16xf32> to vector<1xf32>
        %squeeze3A = vector.extract %slice3A[0] : f32 from vector<1xf32>
        %get3A_823 = arith.constant 1 : i32
        %get3A_824 = arith.index_cast %get3A_823 : i32 to index
        %get3A_825 = arith.index_cast %scan3A_818 : i32 to index
        %get3A_826 = tpu.vector_load %arg15[%get3A_824, %get3A_825] {strides = array<i32>} : memref<2x144xf32, #tpu.memory_space<vmem>>, vector<16xf32>,
        %slice3A_827 = vector.extract_strided_slice %get3A_826 {offsets = [0], sizes = [1], strides = [1]} : vector<16xf32> to vector<1xf32>
        %squeeze3A_828 = vector.extract %slice3A_827[0] : f32 from vector<1xf32>
        %get3A_829 = arith.index_cast %scan3A_818 : i32 to index
        %get3A_830 = arith.constant 0 : index
        %get3A_831 = tpu.vector_load %arg14[%get3A_829, %get3A_830] {strides = array<i32>} : memref<128x144xf32, #tpu.memory_space<vmem>>, vector<16xf32>,
        %mul3A_832 = vector.broadcast %squeeze3A : f32 to vector<16xf32>
        %mul3A_833 = arith.mulf %get3A_831, %mul3A_832 : vector<16xf32>
        %swap3A_834 = arith.index_cast %scan3A_818 : i32 to index
        %swap3A_835 = arith.constant 0 : index
        %swap3A_836 = tpu.vector_load %arg14[%swap3A_834, %swap3A_835] {strides = array<i32>} : memref<128x144xf32, #tpu.memory_space<vmem>>, vector<16xf32>,
        tpu.vector_store %arg14[%swap3A_834, %swap3A_835], %mul3A_833 {strides = array<i32>} : memref<128x144xf32, #tpu.memory_space<vmem>>, vector<16xf32>,
        %get3A_837 = arith.index_cast %scan3A_818 : i32 to index
        %get3A_838 = arith.constant 16 : index
        %get3A_839 = tpu.vector_load %arg14[%get3A_837, %get3A_838] {strides = array<i32>} : memref<128x144xf32, #tpu.memory_space<vmem>>, vector<16xf32>,
        %mul3A_840 = vector.broadcast %squeeze3A : f32 to vector<16xf32>
        %mul3A_841 = arith.mulf %get3A_839, %mul3A_840 : vector<16xf32>
        %swap3A_842 = arith.index_cast %scan3A_818 : i32 to index
        %swap3A_843 = arith.constant 16 : index
        %swap3A_844 = tpu.vector_load %arg14[%swap3A_842, %swap3A_843] {strides = array<i32>} : memref<128x144xf32, #tpu.memory_space<vmem>>, vector<16xf32>,
        tpu.vector_store %arg14[%swap3A_842, %swap3A_843], %mul3A_841 {strides = array<i32>} : memref<128x144xf32, #tpu.memory_space<vmem>>, vector<16xf32>,
        %get3A_845 = arith.index_cast %scan3A_818 : i32 to index
        %get3A_846 = arith.constant 32 : index
        %get3A_847 = tpu.vector_load %arg14[%get3A_845, %get3A_846] {strides = array<i32>} : memref<128x144xf32, #tpu.memory_space<vmem>>, vector<16xf32>,
        %mul3A_848 = vector.broadcast %squeeze3A : f32 to vector<16xf32>
        %mul3A_849 = arith.mulf %get3A_847, %mul3A_848 : vector<16xf32>
        %swap3A_850 = arith.index_cast %scan3A_818 : i32 to index
        %swap3A_851 = arith.constant 32 : index
        %swap3A_852 = tpu.vector_load %arg14[%swap3A_850, %swap3A_851] {strides = array<i32>} : memref<128x144xf32, #tpu.memory_space<vmem>>, vector<16xf32>,
        tpu.vector_store %arg14[%swap3A_850, %swap3A_851], %mul3A_849 {strides = array<i32>} : memref<128x144xf32, #tpu.memory_space<vmem>>, vector<16xf32>,
        %get3A_853 = arith.index_cast %scan3A_818 : i32 to index
        %get3A_854 = arith.constant 48 : index
        %get3A_855 = tpu.vector_load %arg14[%get3A_853, %get3A_854] {strides = array<i32>} : memref<128x144xf32, #tpu.memory_space<vmem>>, vector<16xf32>,
        %mul3A_856 = vector.broadcast %squeeze3A : f32 to vector<16xf32>
        %mul3A_857 = arith.mulf %get3A_855, %mul3A_856 : vector<16xf32>
        %swap3A_858 = arith.index_cast %scan3A_818 : i32 to index
        %swap3A_859 = arith.constant 48 : index
        %swap3A_860 = tpu.vector_load %arg14[%swap3A_858, %swap3A_859] {strides = array<i32>} : memref<128x144xf32, #tpu.memory_space<vmem>>, vector<16xf32>,
        tpu.vector_store %arg14[%swap3A_858, %swap3A_859], %mul3A_857 {strides = array<i32>} : memref<128x144xf32, #tpu.memory_space<vmem>>, vector<16xf32>,
        %get3A_861 = arith.index_cast %scan3A_818 : i32 to index
        %get3A_862 = arith.constant 64 : index
        %get3A_863 = tpu.vector_load %arg14[%get3A_861, %get3A_862] {strides = array<i32>} : memref<128x144xf32, #tpu.memory_space<vmem>>, vector<16xf32>,
        %mul3A_864 = vector.broadcast %squeeze3A_828 : f32 to vector<16xf32>
        %mul3A_865 = arith.mulf %get3A_863, %mul3A_864 : vector<16xf32>
        %swap3A_866 = arith.index_cast %scan3A_818 : i32 to index
        %swap3A_867 = arith.constant 64 : index
        %swap3A_868 = tpu.vector_load %arg14[%swap3A_866, %swap3A_867] {strides = array<i32>} : memref<128x144xf32, #tpu.memory_space<vmem>>, vector<16xf32>,
        tpu.vector_store %arg14[%swap3A_866, %swap3A_867], %mul3A_865 {strides = array<i32>} : memref<128x144xf32, #tpu.memory_space<vmem>>, vector<16xf32>,
        %get3A_869 = arith.index_cast %scan3A_818 : i32 to index
        %get3A_870 = arith.constant 80 : index
        %get3A_871 = tpu.vector_load %arg14[%get3A_869, %get3A_870] {strides = array<i32>} : memref<128x144xf32, #tpu.memory_space<vmem>>, vector<16xf32>,
        %mul3A_872 = vector.broadcast %squeeze3A_828 : f32 to vector<16xf32>
        %mul3A_873 = arith.mulf %get3A_871, %mul3A_872 : vector<16xf32>
        %swap3A_874 = arith.index_cast %scan3A_818 : i32 to index
        %swap3A_875 = arith.constant 80 : index
        %swap3A_876 = tpu.vector_load %arg14[%swap3A_874, %swap3A_875] {strides = array<i32>} : memref<128x144xf32, #tpu.memory_space<vmem>>, vector<16xf32>,
        tpu.vector_store %arg14[%swap3A_874, %swap3A_875], %mul3A_873 {strides = array<i32>} : memref<128x144xf32, #tpu.memory_space<vmem>>, vector<16xf32>,
        %get3A_877 = arith.index_cast %scan3A_818 : i32 to index
        %get3A_878 = arith.constant 96 : index
        %get3A_879 = tpu.vector_load %arg14[%get3A_877, %get3A_878] {strides = array<i32>} : memref<128x144xf32, #tpu.memory_space<vmem>>, vector<16xf32>,
        %mul3A_880 = vector.broadcast %squeeze3A_828 : f32 to vector<16xf32>
        %mul3A_881 = arith.mulf %get3A_879, %mul3A_880 : vector<16xf32>
        %swap3A_882 = arith.index_cast %scan3A_818 : i32 to index
        %swap3A_883 = arith.constant 96 : index
        %swap3A_884 = tpu.vector_load %arg14[%swap3A_882, %swap3A_883] {strides = array<i32>} : memref<128x144xf32, #tpu.memory_space<vmem>>, vector<16xf32>,
        tpu.vector_store %arg14[%swap3A_882, %swap3A_883], %mul3A_881 {strides = array<i32>} : memref<128x144xf32, #tpu.memory_space<vmem>>, vector<16xf32>,
        %get3A_885 = arith.index_cast %scan3A_818 : i32 to index
        %get3A_886 = arith.constant 112 : index
        %get3A_887 = tpu.vector_load %arg14[%get3A_885, %get3A_886] {strides = array<i32>} : memref<128x144xf32, #tpu.memory_space<vmem>>, vector<16xf32>,
        %mul3A_888 = vector.broadcast %squeeze3A_828 : f32 to vector<16xf32>
        %mul3A_889 = arith.mulf %get3A_887, %mul3A_888 : vector<16xf32>
        %swap3A_890 = arith.index_cast %scan3A_818 : i32 to index
        %swap3A_891 = arith.constant 112 : index
        %swap3A_892 = tpu.vector_load %arg14[%swap3A_890, %swap3A_891] {strides = array<i32>} : memref<128x144xf32, #tpu.memory_space<vmem>>, vector<16xf32>,
        tpu.vector_store %arg14[%swap3A_890, %swap3A_891], %mul3A_889 {strides = array<i32>} : memref<128x144xf32, #tpu.memory_space<vmem>>, vector<16xf32>,
        %eq3A = arith.constant 0 : i32
        %eq3A_893 = vector.broadcast %eq3A : i32 to vector<16xi32>
        %eq3A_894 = arith.cmpi eq, %iota3A, %eq3A_893 : vector<16xi32>
        %eq3A_895 = arith.constant 1 : i32
        %eq3A_896 = vector.broadcast %eq3A_895 : i32 to vector<16xi32>
        %eq3A_897 = arith.cmpi eq, %iota3A, %eq3A_896 : vector<16xi32>
        %jit3A_898 = arith.constant 0.000000e+00 : f32
        %broadcast_in_dim3A_899 = vector.broadcast %squeeze3A_828 : f32 to vector<16xf32>
        %broadcast_in_dim3A_900 = vector.broadcast %jit3A_898 : f32 to vector<16xf32>
        %select_n3A_901 = arith.select %eq3A_897, %broadcast_in_dim3A_899, %broadcast_in_dim3A_900 : vector<16xi1>, vector<16xf32>
        %broadcast_in_dim3A_902 = vector.broadcast %squeeze3A : f32 to vector<16xf32>
        %select_n3A_903 = arith.select %eq3A_894, %broadcast_in_dim3A_902, %select_n3A_901 : vector<16xi1>, vector<16xf32>
        %swap3A_904 = arith.index_cast %scan3A_818 : i32 to index
        %swap3A_905 = arith.constant 128 : index
        %swap3A_906 = tpu.vector_load %arg14[%swap3A_904, %swap3A_905] {strides = array<i32>} : memref<128x144xf32, #tpu.memory_space<vmem>>, vector<16xf32>,
        tpu.vector_store %arg14[%swap3A_904, %swap3A_905], %select_n3A_903 {strides = array<i32>} : memref<128x144xf32, #tpu.memory_space<vmem>>, vector<16xf32>,
      }
      %scan3A_817 = arith.constant 128 : i32
      %run_scoped3A = arith.constant 0 : i32
      "tpu.region"() ({
        %run_scoped3A_818 = tpu.sem_alloc : memref<!tpu.dma_semaphore, #tpu.memory_space<semaphore_mem>>
        %dma_start3A_819 = arith.constant 0 : i32
        %dma_start3A_820 = tpu.memref_slice %arg12[%run_scoped3A, %dma_start3A_819] : memref<1x128xi32, #tpu.memory_space<vmem>> -> memref<1x128xi32, #tpu.memory_space<vmem>>
        %dma_start3A_821 = tpu.memref_squeeze %dma_start3A_820 : memref<1x128xi32, #tpu.memory_space<vmem>> -> memref<128xi32, #tpu.memory_space<vmem>>
        %dma_start3A_822 = arith.constant 0 : i32
        %dma_start3A_823 = arith.constant 0 : i32
        %dma_start3A_824 = tpu.memref_slice %arg16[%dma_start3A_822, %dma_start3A_823] : memref<10000x144xf32, #tpu.memory_space<vmem_shared>> -> memref<10000x144xf32, #tpu.memory_space<vmem_shared>>
        tpu.enqueue_indirect_dma source(%arg14 : memref<128x144xf32, #tpu.memory_space<vmem>>) target(%dma_start3A_824 : memref<10000x144xf32, #tpu.memory_space<vmem_shared>>) offsets(%dma_start3A_821 : memref<128xi32, #tpu.memory_space<vmem>>) semaphore(%run_scoped3A_818 : memref<!tpu.dma_semaphore, #tpu.memory_space<semaphore_mem>>) {add = true}
        %dma_wait3A_825 = arith.constant 0 : i32
        %dma_wait3A_826 = tpu.memref_slice %arg12[%run_scoped3A, %dma_wait3A_825] : memref<1x128xi32, #tpu.memory_space<vmem>> -> memref<1x128xi32, #tpu.memory_space<vmem>>
        %dma_wait3A_827 = tpu.memref_squeeze %dma_wait3A_826 : memref<1x128xi32, #tpu.memory_space<vmem>> -> memref<128xi32, #tpu.memory_space<vmem>>
        %dma_wait3A_828 = arith.constant 0 : i32
        %dma_wait3A_829 = arith.constant 0 : i32
        %dma_wait3A_830 = tpu.memref_slice %arg16[%dma_wait3A_828, %dma_wait3A_829] : memref<10000x144xf32, #tpu.memory_space<vmem_shared>> -> memref<10000x144xf32, #tpu.memory_space<vmem_shared>>
        tpu.wait_indirect_dma semaphore(%run_scoped3A_818 : memref<!tpu.dma_semaphore, #tpu.memory_space<semaphore_mem>>) src(%arg14 : memref<128x144xf32, #tpu.memory_space<vmem>>) dst(%dma_wait3A_830 : memref<10000x144xf32, #tpu.memory_space<vmem_shared>>)
        tpu.yield
      }) : () -> ()
    }
    %scan3A_36 = arith.constant 40 : i32
    %barrier3A_37 = arith.constant 0 : index
    tpu.barrier barrier_id(%barrier3A_37)
    %mul3A_38 = arith.constant 625 : i32
    %mul3A_39 = arith.muli %arg1, %mul3A_38 : i32
    %add3A_40 = arith.constant 0 : i32
    %add3A_41 = arith.addi %mul3A_39, %add3A_40 : i32
    "tpu.region"() ({
      %run_scoped3A = tpu.sem_alloc : memref<!tpu.dma_semaphore, #tpu.memory_space<semaphore_mem>>
      %dma_start3A = arith.constant 0 : i32
      %dma_start3A_58 = arith.constant 0 : i32
      %dma_start3A_59 = tpu.memref_slice %arg14[%dma_start3A, %dma_start3A_58] : memref<128x144xf32, #tpu.memory_space<vmem>> -> memref<128x144xf32, #tpu.memory_space<vmem>>
      %dma_start3A_60 = arith.constant 0 : i32
      %dma_start3A_61 = tpu.memref_slice %arg16[%add3A_41, %dma_start3A_60] : memref<10000x144xf32, #tpu.memory_space<vmem_shared>> -> memref<128x144xf32, #tpu.memory_space<vmem_shared>>
      %dma_start3A_62 = arith.constant 0 : i32
      %dma_start3A_63 = arith.constant 0 : i32
      %dma_start3A_64 = tpu.memref_slice %arg14[%dma_start3A_62, %dma_start3A_63] : memref<128x144xf32, #tpu.memory_space<vmem>> -> memref<128x144xf32, #tpu.memory_space<vmem>>
      %dma_start3A_65 = arith.constant 0 : i32
      %dma_start3A_66 = tpu.memref_slice %arg16[%add3A_41, %dma_start3A_65] : memref<10000x144xf32, #tpu.memory_space<vmem_shared>> -> memref<128x144xf32, #tpu.memory_space<vmem_shared>>
      tpu.enqueue_dma source(%dma_start3A_66 : memref<128x144xf32, #tpu.memory_space<vmem_shared>>) target(%dma_start3A_64 : memref<128x144xf32, #tpu.memory_space<vmem>>) target_semaphore(%run_scoped3A : memref<!tpu.dma_semaphore, #tpu.memory_space<semaphore_mem>>)
      %dma_wait3A = arith.constant 0 : i32
      %dma_wait3A_67 = arith.constant 0 : i32
      %dma_wait3A_68 = tpu.memref_slice %arg14[%dma_wait3A, %dma_wait3A_67] : memref<128x144xf32, #tpu.memory_space<vmem>> -> memref<128x144xf32, #tpu.memory_space<vmem>>
      %dma_wait3A_69 = arith.constant 0 : i32
      %dma_wait3A_70 = tpu.memref_slice %arg16[%add3A_41, %dma_wait3A_69] : memref<10000x144xf32, #tpu.memory_space<vmem_shared>> -> memref<128x144xf32, #tpu.memory_space<vmem_shared>>
      %dma_wait3A_71 = arith.constant 0 : i32
      %dma_wait3A_72 = arith.constant 0 : i32
      %dma_wait3A_73 = tpu.memref_slice %arg14[%dma_wait3A_71, %dma_wait3A_72] : memref<128x144xf32, #tpu.memory_space<vmem>> -> memref<128x144xf32, #tpu.memory_space<vmem>>
      %dma_wait3A_74 = arith.constant 0 : i32
      %dma_wait3A_75 = tpu.memref_slice %arg16[%add3A_41, %dma_wait3A_74] : memref<10000x144xf32, #tpu.memory_space<vmem_shared>> -> memref<128x144xf32, #tpu.memory_space<vmem_shared>>
      tpu.wait_dma2 semaphore(%run_scoped3A : memref<!tpu.dma_semaphore, #tpu.memory_space<semaphore_mem>>) src(%dma_wait3A_75 : memref<128x144xf32, #tpu.memory_space<vmem_shared>>) dst(%dma_wait3A_73 : memref<128x144xf32, #tpu.memory_space<vmem>>)
      tpu.yield
    }) : () -> ()
    "tpu.region"() ({
      %run_scoped3A = tpu.sem_alloc : memref<!tpu.dma_semaphore, #tpu.memory_space<semaphore_mem>>
      %dma_start3A = arith.constant 0 : i32
      %dma_start3A_58 = arith.constant 0 : i32
      %dma_start3A_59 = tpu.memref_slice %arg14[%dma_start3A, %dma_start3A_58] : memref<128x144xf32, #tpu.memory_space<vmem>> -> memref<128x144xf32, #tpu.memory_space<vmem>>
      %dma_start3A_60 = arith.constant 0 : i32
      %dma_start3A_61 = arith.constant 0 : i32
      %dma_start3A_62 = tpu.memref_slice %arg8[%arg0, %dma_start3A_60, %dma_start3A_61] : memref<2x10000x144xf32, #tpu.memory_space<hbm>> -> memref<1x10000x144xf32, #tpu.memory_space<hbm>>
      %dma_start3A_63 = tpu.memref_squeeze %dma_start3A_62 : memref<1x10000x144xf32, #tpu.memory_space<hbm>> -> memref<10000x144xf32, #tpu.memory_space<hbm>>
      %dma_start3A_64 = arith.constant 0 : i32
      %dma_start3A_65 = tpu.memref_slice %dma_start3A_63[%add3A_41, %dma_start3A_64] : memref<10000x144xf32, #tpu.memory_space<hbm>> -> memref<128x144xf32, #tpu.memory_space<hbm>>
      %dma_start3A_66 = arith.constant 0 : i32
      %dma_start3A_67 = arith.constant 0 : i32
      %dma_start3A_68 = tpu.memref_slice %arg8[%arg0, %dma_start3A_66, %dma_start3A_67] : memref<2x10000x144xf32, #tpu.memory_space<hbm>> -> memref<1x10000x144xf32, #tpu.memory_space<hbm>>
      %dma_start3A_69 = tpu.memref_squeeze %dma_start3A_68 : memref<1x10000x144xf32, #tpu.memory_space<hbm>> -> memref<10000x144xf32, #tpu.memory_space<hbm>>
      %dma_start3A_70 = arith.constant 0 : i32
      %dma_start3A_71 = tpu.memref_slice %dma_start3A_69[%add3A_41, %dma_start3A_70] : memref<10000x144xf32, #tpu.memory_space<hbm>> -> memref<128x144xf32, #tpu.memory_space<hbm>>
      %dma_start3A_72 = arith.constant 0 : i32
      %dma_start3A_73 = arith.constant 0 : i32
      %dma_start3A_74 = tpu.memref_slice %arg14[%dma_start3A_72, %dma_start3A_73] : memref<128x144xf32, #tpu.memory_space<vmem>> -> memref<128x144xf32, #tpu.memory_space<vmem>>
      tpu.enqueue_dma source(%dma_start3A_74 : memref<128x144xf32, #tpu.memory_space<vmem>>) target(%dma_start3A_71 : memref<128x144xf32, #tpu.memory_space<hbm>>) target_semaphore(%run_scoped3A : memref<!tpu.dma_semaphore, #tpu.memory_space<semaphore_mem>>)
      %dma_wait3A = arith.constant 0 : i32
      %dma_wait3A_75 = arith.constant 0 : i32
      %dma_wait3A_76 = tpu.memref_slice %arg14[%dma_wait3A, %dma_wait3A_75] : memref<128x144xf32, #tpu.memory_space<vmem>> -> memref<128x144xf32, #tpu.memory_space<vmem>>
      %dma_wait3A_77 = arith.constant 0 : i32
      %dma_wait3A_78 = arith.constant 0 : i32
      %dma_wait3A_79 = tpu.memref_slice %arg8[%arg0, %dma_wait3A_77, %dma_wait3A_78] : memref<2x10000x144xf32, #tpu.memory_space<hbm>> -> memref<1x10000x144xf32, #tpu.memory_space<hbm>>
      %dma_wait3A_80 = tpu.memref_squeeze %dma_wait3A_79 : memref<1x10000x144xf32, #tpu.memory_space<hbm>> -> memref<10000x144xf32, #tpu.memory_space<hbm>>
      %dma_wait3A_81 = arith.constant 0 : i32
      %dma_wait3A_82 = tpu.memref_slice %dma_wait3A_80[%add3A_41, %dma_wait3A_81] : memref<10000x144xf32, #tpu.memory_space<hbm>> -> memref<128x144xf32, #tpu.memory_space<hbm>>
      %dma_wait3A_83 = arith.constant 0 : i32
      %dma_wait3A_84 = arith.constant 0 : i32
      %dma_wait3A_85 = tpu.memref_slice %arg8[%arg0, %dma_wait3A_83, %dma_wait3A_84] : memref<2x10000x144xf32, #tpu.memory_space<hbm>> -> memref<1x10000x144xf32, #tpu.memory_space<hbm>>
      %dma_wait3A_86 = tpu.memref_squeeze %dma_wait3A_85 : memref<1x10000x144xf32, #tpu.memory_space<hbm>> -> memref<10000x144xf32, #tpu.memory_space<hbm>>
      %dma_wait3A_87 = arith.constant 0 : i32
      %dma_wait3A_88 = tpu.memref_slice %dma_wait3A_86[%add3A_41, %dma_wait3A_87] : memref<10000x144xf32, #tpu.memory_space<hbm>> -> memref<128x144xf32, #tpu.memory_space<hbm>>
      %dma_wait3A_89 = arith.constant 0 : i32
      %dma_wait3A_90 = arith.constant 0 : i32
      %dma_wait3A_91 = tpu.memref_slice %arg14[%dma_wait3A_89, %dma_wait3A_90] : memref<128x144xf32, #tpu.memory_space<vmem>> -> memref<128x144xf32, #tpu.memory_space<vmem>>
      tpu.wait_dma2 semaphore(%run_scoped3A : memref<!tpu.dma_semaphore, #tpu.memory_space<semaphore_mem>>) src(%dma_wait3A_91 : memref<128x144xf32, #tpu.memory_space<vmem>>) dst(%dma_wait3A_88 : memref<128x144xf32, #tpu.memory_space<hbm>>)
      tpu.yield
    }) : () -> ()
    %mul3A_42 = arith.constant 625 : i32
    %mul3A_43 = arith.muli %arg1, %mul3A_42 : i32
    %add3A_44 = arith.constant 128 : i32
    %add3A_45 = arith.addi %mul3A_43, %add3A_44 : i32
    "tpu.region"() ({
      %run_scoped3A = tpu.sem_alloc : memref<!tpu.dma_semaphore, #tpu.memory_space<semaphore_mem>>
      %dma_start3A = arith.constant 0 : i32
      %dma_start3A_58 = arith.constant 0 : i32
      %dma_start3A_59 = tpu.memref_slice %arg14[%dma_start3A, %dma_start3A_58] : memref<128x144xf32, #tpu.memory_space<vmem>> -> memref<128x144xf32, #tpu.memory_space<vmem>>
      %dma_start3A_60 = arith.constant 0 : i32
      %dma_start3A_61 = tpu.memref_slice %arg16[%add3A_45, %dma_start3A_60] : memref<10000x144xf32, #tpu.memory_space<vmem_shared>> -> memref<128x144xf32, #tpu.memory_space<vmem_shared>>
      %dma_start3A_62 = arith.constant 0 : i32
      %dma_start3A_63 = arith.constant 0 : i32
      %dma_start3A_64 = tpu.memref_slice %arg14[%dma_start3A_62, %dma_start3A_63] : memref<128x144xf32, #tpu.memory_space<vmem>> -> memref<128x144xf32, #tpu.memory_space<vmem>>
      %dma_start3A_65 = arith.constant 0 : i32
      %dma_start3A_66 = tpu.memref_slice %arg16[%add3A_45, %dma_start3A_65] : memref<10000x144xf32, #tpu.memory_space<vmem_shared>> -> memref<128x144xf32, #tpu.memory_space<vmem_shared>>
      tpu.enqueue_dma source(%dma_start3A_66 : memref<128x144xf32, #tpu.memory_space<vmem_shared>>) target(%dma_start3A_64 : memref<128x144xf32, #tpu.memory_space<vmem>>) target_semaphore(%run_scoped3A : memref<!tpu.dma_semaphore, #tpu.memory_space<semaphore_mem>>)
      %dma_wait3A = arith.constant 0 : i32
      %dma_wait3A_67 = arith.constant 0 : i32
      %dma_wait3A_68 = tpu.memref_slice %arg14[%dma_wait3A, %dma_wait3A_67] : memref<128x144xf32, #tpu.memory_space<vmem>> -> memref<128x144xf32, #tpu.memory_space<vmem>>
      %dma_wait3A_69 = arith.constant 0 : i32
      %dma_wait3A_70 = tpu.memref_slice %arg16[%add3A_45, %dma_wait3A_69] : memref<10000x144xf32, #tpu.memory_space<vmem_shared>> -> memref<128x144xf32, #tpu.memory_space<vmem_shared>>
      %dma_wait3A_71 = arith.constant 0 : i32
      %dma_wait3A_72 = arith.constant 0 : i32
      %dma_wait3A_73 = tpu.memref_slice %arg14[%dma_wait3A_71, %dma_wait3A_72] : memref<128x144xf32, #tpu.memory_space<vmem>> -> memref<128x144xf32, #tpu.memory_space<vmem>>
      %dma_wait3A_74 = arith.constant 0 : i32
      %dma_wait3A_75 = tpu.memref_slice %arg16[%add3A_45, %dma_wait3A_74] : memref<10000x144xf32, #tpu.memory_space<vmem_shared>> -> memref<128x144xf32, #tpu.memory_space<vmem_shared>>
      tpu.wait_dma2 semaphore(%run_scoped3A : memref<!tpu.dma_semaphore, #tpu.memory_space<semaphore_mem>>) src(%dma_wait3A_75 : memref<128x144xf32, #tpu.memory_space<vmem_shared>>) dst(%dma_wait3A_73 : memref<128x144xf32, #tpu.memory_space<vmem>>)
      tpu.yield
    }) : () -> ()
    "tpu.region"() ({
      %run_scoped3A = tpu.sem_alloc : memref<!tpu.dma_semaphore, #tpu.memory_space<semaphore_mem>>
      %dma_start3A = arith.constant 0 : i32
      %dma_start3A_58 = arith.constant 0 : i32
      %dma_start3A_59 = tpu.memref_slice %arg14[%dma_start3A, %dma_start3A_58] : memref<128x144xf32, #tpu.memory_space<vmem>> -> memref<128x144xf32, #tpu.memory_space<vmem>>
      %dma_start3A_60 = arith.constant 0 : i32
      %dma_start3A_61 = arith.constant 0 : i32
      %dma_start3A_62 = tpu.memref_slice %arg8[%arg0, %dma_start3A_60, %dma_start3A_61] : memref<2x10000x144xf32, #tpu.memory_space<hbm>> -> memref<1x10000x144xf32, #tpu.memory_space<hbm>>
      %dma_start3A_63 = tpu.memref_squeeze %dma_start3A_62 : memref<1x10000x144xf32, #tpu.memory_space<hbm>> -> memref<10000x144xf32, #tpu.memory_space<hbm>>
      %dma_start3A_64 = arith.constant 0 : i32
      %dma_start3A_65 = tpu.memref_slice %dma_start3A_63[%add3A_45, %dma_start3A_64] : memref<10000x144xf32, #tpu.memory_space<hbm>> -> memref<128x144xf32, #tpu.memory_space<hbm>>
      %dma_start3A_66 = arith.constant 0 : i32
      %dma_start3A_67 = arith.constant 0 : i32
      %dma_start3A_68 = tpu.memref_slice %arg8[%arg0, %dma_start3A_66, %dma_start3A_67] : memref<2x10000x144xf32, #tpu.memory_space<hbm>> -> memref<1x10000x144xf32, #tpu.memory_space<hbm>>
      %dma_start3A_69 = tpu.memref_squeeze %dma_start3A_68 : memref<1x10000x144xf32, #tpu.memory_space<hbm>> -> memref<10000x144xf32, #tpu.memory_space<hbm>>
      %dma_start3A_70 = arith.constant 0 : i32
      %dma_start3A_71 = tpu.memref_slice %dma_start3A_69[%add3A_45, %dma_start3A_70] : memref<10000x144xf32, #tpu.memory_space<hbm>> -> memref<128x144xf32, #tpu.memory_space<hbm>>
      %dma_start3A_72 = arith.constant 0 : i32
      %dma_start3A_73 = arith.constant 0 : i32
      %dma_start3A_74 = tpu.memref_slice %arg14[%dma_start3A_72, %dma_start3A_73] : memref<128x144xf32, #tpu.memory_space<vmem>> -> memref<128x144xf32, #tpu.memory_space<vmem>>
      tpu.enqueue_dma source(%dma_start3A_74 : memref<128x144xf32, #tpu.memory_space<vmem>>) target(%dma_start3A_71 : memref<128x144xf32, #tpu.memory_space<hbm>>) target_semaphore(%run_scoped3A : memref<!tpu.dma_semaphore, #tpu.memory_space<semaphore_mem>>)
      %dma_wait3A = arith.constant 0 : i32
      %dma_wait3A_75 = arith.constant 0 : i32
      %dma_wait3A_76 = tpu.memref_slice %arg14[%dma_wait3A, %dma_wait3A_75] : memref<128x144xf32, #tpu.memory_space<vmem>> -> memref<128x144xf32, #tpu.memory_space<vmem>>
      %dma_wait3A_77 = arith.constant 0 : i32
      %dma_wait3A_78 = arith.constant 0 : i32
      %dma_wait3A_79 = tpu.memref_slice %arg8[%arg0, %dma_wait3A_77, %dma_wait3A_78] : memref<2x10000x144xf32, #tpu.memory_space<hbm>> -> memref<1x10000x144xf32, #tpu.memory_space<hbm>>
      %dma_wait3A_80 = tpu.memref_squeeze %dma_wait3A_79 : memref<1x10000x144xf32, #tpu.memory_space<hbm>> -> memref<10000x144xf32, #tpu.memory_space<hbm>>
      %dma_wait3A_81 = arith.constant 0 : i32
      %dma_wait3A_82 = tpu.memref_slice %dma_wait3A_80[%add3A_45, %dma_wait3A_81] : memref<10000x144xf32, #tpu.memory_space<hbm>> -> memref<128x144xf32, #tpu.memory_space<hbm>>
      %dma_wait3A_83 = arith.constant 0 : i32
      %dma_wait3A_84 = arith.constant 0 : i32
      %dma_wait3A_85 = tpu.memref_slice %arg8[%arg0, %dma_wait3A_83, %dma_wait3A_84] : memref<2x10000x144xf32, #tpu.memory_space<hbm>> -> memref<1x10000x144xf32, #tpu.memory_space<hbm>>
      %dma_wait3A_86 = tpu.memref_squeeze %dma_wait3A_85 : memref<1x10000x144xf32, #tpu.memory_space<hbm>> -> memref<10000x144xf32, #tpu.memory_space<hbm>>
      %dma_wait3A_87 = arith.constant 0 : i32
      %dma_wait3A_88 = tpu.memref_slice %dma_wait3A_86[%add3A_45, %dma_wait3A_87] : memref<10000x144xf32, #tpu.memory_space<hbm>> -> memref<128x144xf32, #tpu.memory_space<hbm>>
      %dma_wait3A_89 = arith.constant 0 : i32
      %dma_wait3A_90 = arith.constant 0 : i32
      %dma_wait3A_91 = tpu.memref_slice %arg14[%dma_wait3A_89, %dma_wait3A_90] : memref<128x144xf32, #tpu.memory_space<vmem>> -> memref<128x144xf32, #tpu.memory_space<vmem>>
      tpu.wait_dma2 semaphore(%run_scoped3A : memref<!tpu.dma_semaphore, #tpu.memory_space<semaphore_mem>>) src(%dma_wait3A_91 : memref<128x144xf32, #tpu.memory_space<vmem>>) dst(%dma_wait3A_88 : memref<128x144xf32, #tpu.memory_space<hbm>>)
      tpu.yield
    }) : () -> ()
    %mul3A_46 = arith.constant 625 : i32
    %mul3A_47 = arith.muli %arg1, %mul3A_46 : i32
    %add3A_48 = arith.constant 256 : i32
    %add3A_49 = arith.addi %mul3A_47, %add3A_48 : i32
    "tpu.region"() ({
      %run_scoped3A = tpu.sem_alloc : memref<!tpu.dma_semaphore, #tpu.memory_space<semaphore_mem>>
      %dma_start3A = arith.constant 0 : i32
      %dma_start3A_58 = arith.constant 0 : i32
      %dma_start3A_59 = tpu.memref_slice %arg14[%dma_start3A, %dma_start3A_58] : memref<128x144xf32, #tpu.memory_space<vmem>> -> memref<128x144xf32, #tpu.memory_space<vmem>>
      %dma_start3A_60 = arith.constant 0 : i32
      %dma_start3A_61 = tpu.memref_slice %arg16[%add3A_49, %dma_start3A_60] : memref<10000x144xf32, #tpu.memory_space<vmem_shared>> -> memref<128x144xf32, #tpu.memory_space<vmem_shared>>
      %dma_start3A_62 = arith.constant 0 : i32
      %dma_start3A_63 = arith.constant 0 : i32
      %dma_start3A_64 = tpu.memref_slice %arg14[%dma_start3A_62, %dma_start3A_63] : memref<128x144xf32, #tpu.memory_space<vmem>> -> memref<128x144xf32, #tpu.memory_space<vmem>>
      %dma_start3A_65 = arith.constant 0 : i32
      %dma_start3A_66 = tpu.memref_slice %arg16[%add3A_49, %dma_start3A_65] : memref<10000x144xf32, #tpu.memory_space<vmem_shared>> -> memref<128x144xf32, #tpu.memory_space<vmem_shared>>
      tpu.enqueue_dma source(%dma_start3A_66 : memref<128x144xf32, #tpu.memory_space<vmem_shared>>) target(%dma_start3A_64 : memref<128x144xf32, #tpu.memory_space<vmem>>) target_semaphore(%run_scoped3A : memref<!tpu.dma_semaphore, #tpu.memory_space<semaphore_mem>>)
      %dma_wait3A = arith.constant 0 : i32
      %dma_wait3A_67 = arith.constant 0 : i32
      %dma_wait3A_68 = tpu.memref_slice %arg14[%dma_wait3A, %dma_wait3A_67] : memref<128x144xf32, #tpu.memory_space<vmem>> -> memref<128x144xf32, #tpu.memory_space<vmem>>
      %dma_wait3A_69 = arith.constant 0 : i32
      %dma_wait3A_70 = tpu.memref_slice %arg16[%add3A_49, %dma_wait3A_69] : memref<10000x144xf32, #tpu.memory_space<vmem_shared>> -> memref<128x144xf32, #tpu.memory_space<vmem_shared>>
      %dma_wait3A_71 = arith.constant 0 : i32
      %dma_wait3A_72 = arith.constant 0 : i32
      %dma_wait3A_73 = tpu.memref_slice %arg14[%dma_wait3A_71, %dma_wait3A_72] : memref<128x144xf32, #tpu.memory_space<vmem>> -> memref<128x144xf32, #tpu.memory_space<vmem>>
      %dma_wait3A_74 = arith.constant 0 : i32
      %dma_wait3A_75 = tpu.memref_slice %arg16[%add3A_49, %dma_wait3A_74] : memref<10000x144xf32, #tpu.memory_space<vmem_shared>> -> memref<128x144xf32, #tpu.memory_space<vmem_shared>>
      tpu.wait_dma2 semaphore(%run_scoped3A : memref<!tpu.dma_semaphore, #tpu.memory_space<semaphore_mem>>) src(%dma_wait3A_75 : memref<128x144xf32, #tpu.memory_space<vmem_shared>>) dst(%dma_wait3A_73 : memref<128x144xf32, #tpu.memory_space<vmem>>)
      tpu.yield
    }) : () -> ()
    "tpu.region"() ({
      %run_scoped3A = tpu.sem_alloc : memref<!tpu.dma_semaphore, #tpu.memory_space<semaphore_mem>>
      %dma_start3A = arith.constant 0 : i32
      %dma_start3A_58 = arith.constant 0 : i32
      %dma_start3A_59 = tpu.memref_slice %arg14[%dma_start3A, %dma_start3A_58] : memref<128x144xf32, #tpu.memory_space<vmem>> -> memref<128x144xf32, #tpu.memory_space<vmem>>
      %dma_start3A_60 = arith.constant 0 : i32
      %dma_start3A_61 = arith.constant 0 : i32
      %dma_start3A_62 = tpu.memref_slice %arg8[%arg0, %dma_start3A_60, %dma_start3A_61] : memref<2x10000x144xf32, #tpu.memory_space<hbm>> -> memref<1x10000x144xf32, #tpu.memory_space<hbm>>
      %dma_start3A_63 = tpu.memref_squeeze %dma_start3A_62 : memref<1x10000x144xf32, #tpu.memory_space<hbm>> -> memref<10000x144xf32, #tpu.memory_space<hbm>>
      %dma_start3A_64 = arith.constant 0 : i32
      %dma_start3A_65 = tpu.memref_slice %dma_start3A_63[%add3A_49, %dma_start3A_64] : memref<10000x144xf32, #tpu.memory_space<hbm>> -> memref<128x144xf32, #tpu.memory_space<hbm>>
      %dma_start3A_66 = arith.constant 0 : i32
      %dma_start3A_67 = arith.constant 0 : i32
      %dma_start3A_68 = tpu.memref_slice %arg8[%arg0, %dma_start3A_66, %dma_start3A_67] : memref<2x10000x144xf32, #tpu.memory_space<hbm>> -> memref<1x10000x144xf32, #tpu.memory_space<hbm>>
      %dma_start3A_69 = tpu.memref_squeeze %dma_start3A_68 : memref<1x10000x144xf32, #tpu.memory_space<hbm>> -> memref<10000x144xf32, #tpu.memory_space<hbm>>
      %dma_start3A_70 = arith.constant 0 : i32
      %dma_start3A_71 = tpu.memref_slice %dma_start3A_69[%add3A_49, %dma_start3A_70] : memref<10000x144xf32, #tpu.memory_space<hbm>> -> memref<128x144xf32, #tpu.memory_space<hbm>>
      %dma_start3A_72 = arith.constant 0 : i32
      %dma_start3A_73 = arith.constant 0 : i32
      %dma_start3A_74 = tpu.memref_slice %arg14[%dma_start3A_72, %dma_start3A_73] : memref<128x144xf32, #tpu.memory_space<vmem>> -> memref<128x144xf32, #tpu.memory_space<vmem>>
      tpu.enqueue_dma source(%dma_start3A_74 : memref<128x144xf32, #tpu.memory_space<vmem>>) target(%dma_start3A_71 : memref<128x144xf32, #tpu.memory_space<hbm>>) target_semaphore(%run_scoped3A : memref<!tpu.dma_semaphore, #tpu.memory_space<semaphore_mem>>)
      %dma_wait3A = arith.constant 0 : i32
      %dma_wait3A_75 = arith.constant 0 : i32
      %dma_wait3A_76 = tpu.memref_slice %arg14[%dma_wait3A, %dma_wait3A_75] : memref<128x144xf32, #tpu.memory_space<vmem>> -> memref<128x144xf32, #tpu.memory_space<vmem>>
      %dma_wait3A_77 = arith.constant 0 : i32
      %dma_wait3A_78 = arith.constant 0 : i32
      %dma_wait3A_79 = tpu.memref_slice %arg8[%arg0, %dma_wait3A_77, %dma_wait3A_78] : memref<2x10000x144xf32, #tpu.memory_space<hbm>> -> memref<1x10000x144xf32, #tpu.memory_space<hbm>>
      %dma_wait3A_80 = tpu.memref_squeeze %dma_wait3A_79 : memref<1x10000x144xf32, #tpu.memory_space<hbm>> -> memref<10000x144xf32, #tpu.memory_space<hbm>>
      %dma_wait3A_81 = arith.constant 0 : i32
      %dma_wait3A_82 = tpu.memref_slice %dma_wait3A_80[%add3A_49, %dma_wait3A_81] : memref<10000x144xf32, #tpu.memory_space<hbm>> -> memref<128x144xf32, #tpu.memory_space<hbm>>
      %dma_wait3A_83 = arith.constant 0 : i32
      %dma_wait3A_84 = arith.constant 0 : i32
      %dma_wait3A_85 = tpu.memref_slice %arg8[%arg0, %dma_wait3A_83, %dma_wait3A_84] : memref<2x10000x144xf32, #tpu.memory_space<hbm>> -> memref<1x10000x144xf32, #tpu.memory_space<hbm>>
      %dma_wait3A_86 = tpu.memref_squeeze %dma_wait3A_85 : memref<1x10000x144xf32, #tpu.memory_space<hbm>> -> memref<10000x144xf32, #tpu.memory_space<hbm>>
      %dma_wait3A_87 = arith.constant 0 : i32
      %dma_wait3A_88 = tpu.memref_slice %dma_wait3A_86[%add3A_49, %dma_wait3A_87] : memref<10000x144xf32, #tpu.memory_space<hbm>> -> memref<128x144xf32, #tpu.memory_space<hbm>>
      %dma_wait3A_89 = arith.constant 0 : i32
      %dma_wait3A_90 = arith.constant 0 : i32
      %dma_wait3A_91 = tpu.memref_slice %arg14[%dma_wait3A_89, %dma_wait3A_90] : memref<128x144xf32, #tpu.memory_space<vmem>> -> memref<128x144xf32, #tpu.memory_space<vmem>>
      tpu.wait_dma2 semaphore(%run_scoped3A : memref<!tpu.dma_semaphore, #tpu.memory_space<semaphore_mem>>) src(%dma_wait3A_91 : memref<128x144xf32, #tpu.memory_space<vmem>>) dst(%dma_wait3A_88 : memref<128x144xf32, #tpu.memory_space<hbm>>)
      tpu.yield
    }) : () -> ()
    %mul3A_50 = arith.constant 625 : i32
    %mul3A_51 = arith.muli %arg1, %mul3A_50 : i32
    %add3A_52 = arith.constant 384 : i32
    %add3A_53 = arith.addi %mul3A_51, %add3A_52 : i32
    "tpu.region"() ({
      %run_scoped3A = tpu.sem_alloc : memref<!tpu.dma_semaphore, #tpu.memory_space<semaphore_mem>>
      %dma_start3A = arith.constant 0 : i32
      %dma_start3A_58 = arith.constant 0 : i32
      %dma_start3A_59 = tpu.memref_slice %arg14[%dma_start3A, %dma_start3A_58] : memref<128x144xf32, #tpu.memory_space<vmem>> -> memref<128x144xf32, #tpu.memory_space<vmem>>
      %dma_start3A_60 = arith.constant 0 : i32
      %dma_start3A_61 = tpu.memref_slice %arg16[%add3A_53, %dma_start3A_60] : memref<10000x144xf32, #tpu.memory_space<vmem_shared>> -> memref<128x144xf32, #tpu.memory_space<vmem_shared>>
      %dma_start3A_62 = arith.constant 0 : i32
      %dma_start3A_63 = arith.constant 0 : i32
      %dma_start3A_64 = tpu.memref_slice %arg14[%dma_start3A_62, %dma_start3A_63] : memref<128x144xf32, #tpu.memory_space<vmem>> -> memref<128x144xf32, #tpu.memory_space<vmem>>
      %dma_start3A_65 = arith.constant 0 : i32
      %dma_start3A_66 = tpu.memref_slice %arg16[%add3A_53, %dma_start3A_65] : memref<10000x144xf32, #tpu.memory_space<vmem_shared>> -> memref<128x144xf32, #tpu.memory_space<vmem_shared>>
      tpu.enqueue_dma source(%dma_start3A_66 : memref<128x144xf32, #tpu.memory_space<vmem_shared>>) target(%dma_start3A_64 : memref<128x144xf32, #tpu.memory_space<vmem>>) target_semaphore(%run_scoped3A : memref<!tpu.dma_semaphore, #tpu.memory_space<semaphore_mem>>)
      %dma_wait3A = arith.constant 0 : i32
      %dma_wait3A_67 = arith.constant 0 : i32
      %dma_wait3A_68 = tpu.memref_slice %arg14[%dma_wait3A, %dma_wait3A_67] : memref<128x144xf32, #tpu.memory_space<vmem>> -> memref<128x144xf32, #tpu.memory_space<vmem>>
      %dma_wait3A_69 = arith.constant 0 : i32
      %dma_wait3A_70 = tpu.memref_slice %arg16[%add3A_53, %dma_wait3A_69] : memref<10000x144xf32, #tpu.memory_space<vmem_shared>> -> memref<128x144xf32, #tpu.memory_space<vmem_shared>>
      %dma_wait3A_71 = arith.constant 0 : i32
      %dma_wait3A_72 = arith.constant 0 : i32
      %dma_wait3A_73 = tpu.memref_slice %arg14[%dma_wait3A_71, %dma_wait3A_72] : memref<128x144xf32, #tpu.memory_space<vmem>> -> memref<128x144xf32, #tpu.memory_space<vmem>>
      %dma_wait3A_74 = arith.constant 0 : i32
      %dma_wait3A_75 = tpu.memref_slice %arg16[%add3A_53, %dma_wait3A_74] : memref<10000x144xf32, #tpu.memory_space<vmem_shared>> -> memref<128x144xf32, #tpu.memory_space<vmem_shared>>
      tpu.wait_dma2 semaphore(%run_scoped3A : memref<!tpu.dma_semaphore, #tpu.memory_space<semaphore_mem>>) src(%dma_wait3A_75 : memref<128x144xf32, #tpu.memory_space<vmem_shared>>) dst(%dma_wait3A_73 : memref<128x144xf32, #tpu.memory_space<vmem>>)
      tpu.yield
    }) : () -> ()
    "tpu.region"() ({
      %run_scoped3A = tpu.sem_alloc : memref<!tpu.dma_semaphore, #tpu.memory_space<semaphore_mem>>
      %dma_start3A = arith.constant 0 : i32
      %dma_start3A_58 = arith.constant 0 : i32
      %dma_start3A_59 = tpu.memref_slice %arg14[%dma_start3A, %dma_start3A_58] : memref<128x144xf32, #tpu.memory_space<vmem>> -> memref<128x144xf32, #tpu.memory_space<vmem>>
      %dma_start3A_60 = arith.constant 0 : i32
      %dma_start3A_61 = arith.constant 0 : i32
      %dma_start3A_62 = tpu.memref_slice %arg8[%arg0, %dma_start3A_60, %dma_start3A_61] : memref<2x10000x144xf32, #tpu.memory_space<hbm>> -> memref<1x10000x144xf32, #tpu.memory_space<hbm>>
      %dma_start3A_63 = tpu.memref_squeeze %dma_start3A_62 : memref<1x10000x144xf32, #tpu.memory_space<hbm>> -> memref<10000x144xf32, #tpu.memory_space<hbm>>
      %dma_start3A_64 = arith.constant 0 : i32
      %dma_start3A_65 = tpu.memref_slice %dma_start3A_63[%add3A_53, %dma_start3A_64] : memref<10000x144xf32, #tpu.memory_space<hbm>> -> memref<128x144xf32, #tpu.memory_space<hbm>>
      %dma_start3A_66 = arith.constant 0 : i32
      %dma_start3A_67 = arith.constant 0 : i32
      %dma_start3A_68 = tpu.memref_slice %arg8[%arg0, %dma_start3A_66, %dma_start3A_67] : memref<2x10000x144xf32, #tpu.memory_space<hbm>> -> memref<1x10000x144xf32, #tpu.memory_space<hbm>>
      %dma_start3A_69 = tpu.memref_squeeze %dma_start3A_68 : memref<1x10000x144xf32, #tpu.memory_space<hbm>> -> memref<10000x144xf32, #tpu.memory_space<hbm>>
      %dma_start3A_70 = arith.constant 0 : i32
      %dma_start3A_71 = tpu.memref_slice %dma_start3A_69[%add3A_53, %dma_start3A_70] : memref<10000x144xf32, #tpu.memory_space<hbm>> -> memref<128x144xf32, #tpu.memory_space<hbm>>
      %dma_start3A_72 = arith.constant 0 : i32
      %dma_start3A_73 = arith.constant 0 : i32
      %dma_start3A_74 = tpu.memref_slice %arg14[%dma_start3A_72, %dma_start3A_73] : memref<128x144xf32, #tpu.memory_space<vmem>> -> memref<128x144xf32, #tpu.memory_space<vmem>>
      tpu.enqueue_dma source(%dma_start3A_74 : memref<128x144xf32, #tpu.memory_space<vmem>>) target(%dma_start3A_71 : memref<128x144xf32, #tpu.memory_space<hbm>>) target_semaphore(%run_scoped3A : memref<!tpu.dma_semaphore, #tpu.memory_space<semaphore_mem>>)
      %dma_wait3A = arith.constant 0 : i32
      %dma_wait3A_75 = arith.constant 0 : i32
      %dma_wait3A_76 = tpu.memref_slice %arg14[%dma_wait3A, %dma_wait3A_75] : memref<128x144xf32, #tpu.memory_space<vmem>> -> memref<128x144xf32, #tpu.memory_space<vmem>>
      %dma_wait3A_77 = arith.constant 0 : i32
      %dma_wait3A_78 = arith.constant 0 : i32
      %dma_wait3A_79 = tpu.memref_slice %arg8[%arg0, %dma_wait3A_77, %dma_wait3A_78] : memref<2x10000x144xf32, #tpu.memory_space<hbm>> -> memref<1x10000x144xf32, #tpu.memory_space<hbm>>
      %dma_wait3A_80 = tpu.memref_squeeze %dma_wait3A_79 : memref<1x10000x144xf32, #tpu.memory_space<hbm>> -> memref<10000x144xf32, #tpu.memory_space<hbm>>
      %dma_wait3A_81 = arith.constant 0 : i32
      %dma_wait3A_82 = tpu.memref_slice %dma_wait3A_80[%add3A_53, %dma_wait3A_81] : memref<10000x144xf32, #tpu.memory_space<hbm>> -> memref<128x144xf32, #tpu.memory_space<hbm>>
      %dma_wait3A_83 = arith.constant 0 : i32
      %dma_wait3A_84 = arith.constant 0 : i32
      %dma_wait3A_85 = tpu.memref_slice %arg8[%arg0, %dma_wait3A_83, %dma_wait3A_84] : memref<2x10000x144xf32, #tpu.memory_space<hbm>> -> memref<1x10000x144xf32, #tpu.memory_space<hbm>>
      %dma_wait3A_86 = tpu.memref_squeeze %dma_wait3A_85 : memref<1x10000x144xf32, #tpu.memory_space<hbm>> -> memref<10000x144xf32, #tpu.memory_space<hbm>>
      %dma_wait3A_87 = arith.constant 0 : i32
      %dma_wait3A_88 = tpu.memref_slice %dma_wait3A_86[%add3A_53, %dma_wait3A_87] : memref<10000x144xf32, #tpu.memory_space<hbm>> -> memref<128x144xf32, #tpu.memory_space<hbm>>
      %dma_wait3A_89 = arith.constant 0 : i32
      %dma_wait3A_90 = arith.constant 0 : i32
      %dma_wait3A_91 = tpu.memref_slice %arg14[%dma_wait3A_89, %dma_wait3A_90] : memref<128x144xf32, #tpu.memory_space<vmem>> -> memref<128x144xf32, #tpu.memory_space<vmem>>
      tpu.wait_dma2 semaphore(%run_scoped3A : memref<!tpu.dma_semaphore, #tpu.memory_space<semaphore_mem>>) src(%dma_wait3A_91 : memref<128x144xf32, #tpu.memory_space<vmem>>) dst(%dma_wait3A_88 : memref<128x144xf32, #tpu.memory_space<hbm>>)
      tpu.yield
    }) : () -> ()
    %mul3A_54 = arith.constant 625 : i32
    %mul3A_55 = arith.muli %arg1, %mul3A_54 : i32
    %add3A_56 = arith.constant 512 : i32
    %add3A_57 = arith.addi %mul3A_55, %add3A_56 : i32
    "tpu.region"() ({
      %run_scoped3A = tpu.sem_alloc : memref<!tpu.dma_semaphore, #tpu.memory_space<semaphore_mem>>
      %dma_start3A = arith.constant 0 : i32
      %dma_start3A_58 = arith.constant 0 : i32
      %dma_start3A_59 = tpu.memref_slice %arg14[%dma_start3A, %dma_start3A_58] : memref<128x144xf32, #tpu.memory_space<vmem>> -> memref<113x144xf32, #tpu.memory_space<vmem>>
      %dma_start3A_60 = arith.constant 0 : i32
      %dma_start3A_61 = tpu.memref_slice %arg16[%add3A_57, %dma_start3A_60] : memref<10000x144xf32, #tpu.memory_space<vmem_shared>> -> memref<113x144xf32, #tpu.memory_space<vmem_shared>>
      %dma_start3A_62 = arith.constant 0 : i32
      %dma_start3A_63 = arith.constant 0 : i32
      %dma_start3A_64 = tpu.memref_slice %arg14[%dma_start3A_62, %dma_start3A_63] : memref<128x144xf32, #tpu.memory_space<vmem>> -> memref<113x144xf32, #tpu.memory_space<vmem>>
      %dma_start3A_65 = arith.constant 0 : i32
      %dma_start3A_66 = tpu.memref_slice %arg16[%add3A_57, %dma_start3A_65] : memref<10000x144xf32, #tpu.memory_space<vmem_shared>> -> memref<113x144xf32, #tpu.memory_space<vmem_shared>>
      tpu.enqueue_dma source(%dma_start3A_66 : memref<113x144xf32, #tpu.memory_space<vmem_shared>>) target(%dma_start3A_64 : memref<113x144xf32, #tpu.memory_space<vmem>>) target_semaphore(%run_scoped3A : memref<!tpu.dma_semaphore, #tpu.memory_space<semaphore_mem>>)
      %dma_wait3A = arith.constant 0 : i32
      %dma_wait3A_67 = arith.constant 0 : i32
      %dma_wait3A_68 = tpu.memref_slice %arg14[%dma_wait3A, %dma_wait3A_67] : memref<128x144xf32, #tpu.memory_space<vmem>> -> memref<113x144xf32, #tpu.memory_space<vmem>>
      %dma_wait3A_69 = arith.constant 0 : i32
      %dma_wait3A_70 = tpu.memref_slice %arg16[%add3A_57, %dma_wait3A_69] : memref<10000x144xf32, #tpu.memory_space<vmem_shared>> -> memref<113x144xf32, #tpu.memory_space<vmem_shared>>
      %dma_wait3A_71 = arith.constant 0 : i32
      %dma_wait3A_72 = arith.constant 0 : i32
      %dma_wait3A_73 = tpu.memref_slice %arg14[%dma_wait3A_71, %dma_wait3A_72] : memref<128x144xf32, #tpu.memory_space<vmem>> -> memref<113x144xf32, #tpu.memory_space<vmem>>
      %dma_wait3A_74 = arith.constant 0 : i32
      %dma_wait3A_75 = tpu.memref_slice %arg16[%add3A_57, %dma_wait3A_74] : memref<10000x144xf32, #tpu.memory_space<vmem_shared>> -> memref<113x144xf32, #tpu.memory_space<vmem_shared>>
      tpu.wait_dma2 semaphore(%run_scoped3A : memref<!tpu.dma_semaphore, #tpu.memory_space<semaphore_mem>>) src(%dma_wait3A_75 : memref<113x144xf32, #tpu.memory_space<vmem_shared>>) dst(%dma_wait3A_73 : memref<113x144xf32, #tpu.memory_space<vmem>>)
      tpu.yield
    }) : () -> ()
    "tpu.region"() ({
      %run_scoped3A = tpu.sem_alloc : memref<!tpu.dma_semaphore, #tpu.memory_space<semaphore_mem>>
      %dma_start3A = arith.constant 0 : i32
      %dma_start3A_58 = arith.constant 0 : i32
      %dma_start3A_59 = tpu.memref_slice %arg14[%dma_start3A, %dma_start3A_58] : memref<128x144xf32, #tpu.memory_space<vmem>> -> memref<113x144xf32, #tpu.memory_space<vmem>>
      %dma_start3A_60 = arith.constant 0 : i32
      %dma_start3A_61 = arith.constant 0 : i32
      %dma_start3A_62 = tpu.memref_slice %arg8[%arg0, %dma_start3A_60, %dma_start3A_61] : memref<2x10000x144xf32, #tpu.memory_space<hbm>> -> memref<1x10000x144xf32, #tpu.memory_space<hbm>>
      %dma_start3A_63 = tpu.memref_squeeze %dma_start3A_62 : memref<1x10000x144xf32, #tpu.memory_space<hbm>> -> memref<10000x144xf32, #tpu.memory_space<hbm>>
      %dma_start3A_64 = arith.constant 0 : i32
      %dma_start3A_65 = tpu.memref_slice %dma_start3A_63[%add3A_57, %dma_start3A_64] : memref<10000x144xf32, #tpu.memory_space<hbm>> -> memref<113x144xf32, #tpu.memory_space<hbm>>
      %dma_start3A_66 = arith.constant 0 : i32
      %dma_start3A_67 = arith.constant 0 : i32
      %dma_start3A_68 = tpu.memref_slice %arg8[%arg0, %dma_start3A_66, %dma_start3A_67] : memref<2x10000x144xf32, #tpu.memory_space<hbm>> -> memref<1x10000x144xf32, #tpu.memory_space<hbm>>
      %dma_start3A_69 = tpu.memref_squeeze %dma_start3A_68 : memref<1x10000x144xf32, #tpu.memory_space<hbm>> -> memref<10000x144xf32, #tpu.memory_space<hbm>>
      %dma_start3A_70 = arith.constant 0 : i32
      %dma_start3A_71 = tpu.memref_slice %dma_start3A_69[%add3A_57, %dma_start3A_70] : memref<10000x144xf32, #tpu.memory_space<hbm>> -> memref<113x144xf32, #tpu.memory_space<hbm>>
      %dma_start3A_72 = arith.constant 0 : i32
      %dma_start3A_73 = arith.constant 0 : i32
      %dma_start3A_74 = tpu.memref_slice %arg14[%dma_start3A_72, %dma_start3A_73] : memref<128x144xf32, #tpu.memory_space<vmem>> -> memref<113x144xf32, #tpu.memory_space<vmem>>
      tpu.enqueue_dma source(%dma_start3A_74 : memref<113x144xf32, #tpu.memory_space<vmem>>) target(%dma_start3A_71 : memref<113x144xf32, #tpu.memory_space<hbm>>) target_semaphore(%run_scoped3A : memref<!tpu.dma_semaphore, #tpu.memory_space<semaphore_mem>>)
      %dma_wait3A = arith.constant 0 : i32
      %dma_wait3A_75 = arith.constant 0 : i32
      %dma_wait3A_76 = tpu.memref_slice %arg14[%dma_wait3A, %dma_wait3A_75] : memref<128x144xf32, #tpu.memory_space<vmem>> -> memref<113x144xf32, #tpu.memory_space<vmem>>
      %dma_wait3A_77 = arith.constant 0 : i32
      %dma_wait3A_78 = arith.constant 0 : i32
      %dma_wait3A_79 = tpu.memref_slice %arg8[%arg0, %dma_wait3A_77, %dma_wait3A_78] : memref<2x10000x144xf32, #tpu.memory_space<hbm>> -> memref<1x10000x144xf32, #tpu.memory_space<hbm>>
      %dma_wait3A_80 = tpu.memref_squeeze %dma_wait3A_79 : memref<1x10000x144xf32, #tpu.memory_space<hbm>> -> memref<10000x144xf32, #tpu.memory_space<hbm>>
      %dma_wait3A_81 = arith.constant 0 : i32
      %dma_wait3A_82 = tpu.memref_slice %dma_wait3A_80[%add3A_57, %dma_wait3A_81] : memref<10000x144xf32, #tpu.memory_space<hbm>> -> memref<113x144xf32, #tpu.memory_space<hbm>>
      %dma_wait3A_83 = arith.constant 0 : i32
      %dma_wait3A_84 = arith.constant 0 : i32
      %dma_wait3A_85 = tpu.memref_slice %arg8[%arg0, %dma_wait3A_83, %dma_wait3A_84] : memref<2x10000x144xf32, #tpu.memory_space<hbm>> -> memref<1x10000x144xf32, #tpu.memory_space<hbm>>
      %dma_wait3A_86 = tpu.memref_squeeze %dma_wait3A_85 : memref<1x10000x144xf32, #tpu.memory_space<hbm>> -> memref<10000x144xf32, #tpu.memory_space<hbm>>
      %dma_wait3A_87 = arith.constant 0 : i32
      %dma_wait3A_88 = tpu.memref_slice %dma_wait3A_86[%add3A_57, %dma_wait3A_87] : memref<10000x144xf32, #tpu.memory_space<hbm>> -> memref<113x144xf32, #tpu.memory_space<hbm>>
      %dma_wait3A_89 = arith.constant 0 : i32
      %dma_wait3A_90 = arith.constant 0 : i32
      %dma_wait3A_91 = tpu.memref_slice %arg14[%dma_wait3A_89, %dma_wait3A_90] : memref<128x144xf32, #tpu.memory_space<vmem>> -> memref<113x144xf32, #tpu.memory_space<vmem>>
      tpu.wait_dma2 semaphore(%run_scoped3A : memref<!tpu.dma_semaphore, #tpu.memory_space<semaphore_mem>>) src(%dma_wait3A_91 : memref<113x144xf32, #tpu.memory_space<vmem>>) dst(%dma_wait3A_88 : memref<113x144xf32, #tpu.memory_space<hbm>>)
      tpu.yield
    }) : () -> ()
    return
  }
}

module attributes {stable_mosaic.version = 14 : i64} {
  func.func @_prep_body(%arg0: i32, %arg1: memref<1000x128xf32, #tpu.memory_space<vmem>>, %arg2: memref<128x128xf32, #tpu.memory_space<vmem>>, %arg3: memref<128x8xf32, #tpu.memory_space<vmem>>, %arg4: memref<8x128xf32, #tpu.memory_space<vmem>>, %arg5: memref<128x256xf32, #tpu.memory_space<vmem>>, %arg6: memref<1x256xf32, #tpu.memory_space<vmem>>, %arg7: memref<1000x144xf32, #tpu.memory_space<vmem>>, %arg8: memref<1000x8xf32, #tpu.memory_space<vmem>>, %arg9: memref<8x2xf32, #tpu.memory_space<vmem>>) attributes {dimension_semantics = [#tpu.dimension_semantics<arbitrary>], iteration_bounds = array<i64: 10>, scalar_prefetch = 0 : i64, scratch_operands = 0 : i64, tpu.core_type = #tpu.core_type<tc>, window_params = [{transform_indices = @transform_0, window_bounds = array<i64: 1000, 128>}, {pipeline_mode = #tpu.pipeline_mode<synchronous>, transform_indices = @transform_1, window_bounds = array<i64: 128, 128>}, {pipeline_mode = #tpu.pipeline_mode<synchronous>, transform_indices = @transform_2, window_bounds = array<i64: 128, 8>}, {pipeline_mode = #tpu.pipeline_mode<synchronous>, transform_indices = @transform_3, window_bounds = array<i64: 8, 128>}, {pipeline_mode = #tpu.pipeline_mode<synchronous>, transform_indices = @transform_4, window_bounds = array<i64: 128, 256>}, {pipeline_mode = #tpu.pipeline_mode<synchronous>, transform_indices = @transform_5, window_bounds = array<i64: 1, 256>}, {transform_indices = @transform_6, window_bounds = array<i64: 1000, 144>}, {transform_indices = @transform_7, window_bounds = array<i64: 1000, 8>}, {pipeline_mode = #tpu.pipeline_mode<synchronous>, transform_indices = @transform_8, window_bounds = array<i64: 8, 2>}]} {
    %get3A = arith.constant 0 : index
    %get3A_0 = arith.constant 0 : index
    %get3A_1 = vector.load %arg1[%get3A, %get3A_0] : memref<1000x128xf32, #tpu.memory_space<vmem>>, vector<1000x128xf32>
    %get3A_2 = arith.constant 0 : index
    %get3A_3 = arith.constant 0 : index
    %get3A_4 = vector.load %arg2[%get3A_2, %get3A_3] : memref<128x128xf32, #tpu.memory_space<vmem>>, vector<128x128xf32>
    %dot_general3A = arith.constant dense<0.000000e+00> : vector<1000x128xf32>
    %dot_general3A_5 = tpu.matmul %get3A_1, %get3A_4, %dot_general3A {dimension_numbers = #tpu.dot_dimension_numbers<[1], [0], [0], [1], [0, 0, 1, 1], [], []>, transpose_lhs_hint = false} : vector<1000x128xf32>, vector<128x128xf32>, vector<1000x128xf32> -> vector<1000x128xf32>
    %get3A_6 = arith.constant 0 : index
    %get3A_7 = arith.constant 0 : index
    %get3A_8 = vector.load %arg3[%get3A_6, %get3A_7] : memref<128x8xf32, #tpu.memory_space<vmem>>, vector<128x8xf32>
    %dot_general3A_9 = arith.constant dense<0.000000e+00> : vector<1000x8xf32>
    %dot_general3A_10 = tpu.matmul %dot_general3A_5, %get3A_8, %dot_general3A_9 {dimension_numbers = #tpu.dot_dimension_numbers<[1], [0], [0], [1], [0, 0, 1, 1], [], []>, transpose_lhs_hint = false} : vector<1000x128xf32>, vector<128x8xf32>, vector<1000x8xf32> -> vector<1000x8xf32>
    %swap3A = arith.constant 0 : index
    %swap3A_11 = arith.constant 0 : index
    %swap3A_12 = vector.load %arg8[%swap3A, %swap3A_11] : memref<1000x8xf32, #tpu.memory_space<vmem>>, vector<1000x8xf32>
    tpu.vector_store %arg8[%swap3A, %swap3A_11], %dot_general3A_10 {strides = array<i32>} : memref<1000x8xf32, #tpu.memory_space<vmem>>, vector<1000x8xf32>,
    %swap3A_13 = arith.constant 0 : index
    %swap3A_14 = arith.constant 0 : index
    %swap3A_15 = vector.load %arg7[%swap3A_13, %swap3A_14] : memref<1000x144xf32, #tpu.memory_space<vmem>>, vector<1000x128xf32>
    tpu.vector_store %arg7[%swap3A_13, %swap3A_14], %dot_general3A_5 {strides = array<i32>} : memref<1000x144xf32, #tpu.memory_space<vmem>>, vector<1000x128xf32>,
    %iota3A = tpu.iota {dimensions = array<i32: 1>} : vector<1000x16xi32>
    %lt3A = arith.constant 2 : i32
    %lt3A_16 = vector.broadcast %lt3A : i32 to vector<1000x16xi32>
    %lt3A_17 = arith.cmpi slt, %iota3A, %lt3A_16 : vector<1000x16xi32>
    %jit3A = arith.constant 1.000000e+00 : f32
    %jit3A_18 = arith.constant 0.000000e+00 : f32
    %broadcast_in_dim3A = vector.broadcast %jit3A : f32 to vector<1000x16xf32>
    %broadcast_in_dim3A_19 = vector.broadcast %jit3A_18 : f32 to vector<1000x16xf32>
    %select_n3A = arith.select %lt3A_17, %broadcast_in_dim3A, %broadcast_in_dim3A_19 : vector<1000x16xi1>, vector<1000x16xf32>
    %eq3A = arith.constant 2 : i32
    %eq3A_20 = vector.broadcast %eq3A : i32 to vector<1000x16xi32>
    %eq3A_21 = arith.cmpi eq, %iota3A, %eq3A_20 : vector<1000x16xi32>
    %slice3A = vector.extract_strided_slice %dot_general3A_10 {offsets = [0, 0], sizes = [1000, 1], strides = [1, 1]} : vector<1000x8xf32> to vector<1000x1xf32>
    %broadcast_in_dim3A_22 = vector.shape_cast %slice3A : vector<1000x1xf32> to vector<1000x1xf32>
    %broadcast_in_dim3A_23 = vector.broadcast %broadcast_in_dim3A_22 : vector<1000x1xf32> to vector<1000x16xf32>
    %select_n3A_24 = arith.select %eq3A_21, %broadcast_in_dim3A_23, %select_n3A : vector<1000x16xi1>, vector<1000x16xf32>
    %eq3A_25 = arith.constant 3 : i32
    %eq3A_26 = vector.broadcast %eq3A_25 : i32 to vector<1000x16xi32>
    %eq3A_27 = arith.cmpi eq, %iota3A, %eq3A_26 : vector<1000x16xi32>
    %slice3A_28 = vector.extract_strided_slice %dot_general3A_10 {offsets = [0, 1], sizes = [1000, 1], strides = [1, 1]} : vector<1000x8xf32> to vector<1000x1xf32>
    %broadcast_in_dim3A_29 = vector.shape_cast %slice3A_28 : vector<1000x1xf32> to vector<1000x1xf32>
    %broadcast_in_dim3A_30 = vector.broadcast %broadcast_in_dim3A_29 : vector<1000x1xf32> to vector<1000x16xf32>
    %select_n3A_31 = arith.select %eq3A_27, %broadcast_in_dim3A_30, %select_n3A_24 : vector<1000x16xi1>, vector<1000x16xf32>
    %swap3A_32 = arith.constant 0 : index
    %swap3A_33 = arith.constant 128 : index
    %swap3A_34 = vector.load %arg7[%swap3A_32, %swap3A_33] : memref<1000x144xf32, #tpu.memory_space<vmem>>, vector<1000x16xf32>
    tpu.vector_store %arg7[%swap3A_32, %swap3A_33], %select_n3A_31 {strides = array<i32>} : memref<1000x144xf32, #tpu.memory_space<vmem>>, vector<1000x16xf32>,
    %eq3A_35 = arith.constant 0 : i32
    %eq3A_36 = arith.cmpi eq, %arg0, %eq3A_35 : i32
    %convert_element_type3A = arith.extui %eq3A_36 : i1 to i32
    %cond3A = arith.constant 0 : i32
    %cond3A_37 = arith.cmpi ne, %convert_element_type3A, %cond3A : i32
    scf.if %cond3A_37 {
      %get3A_38 = arith.constant 0 : index
      %get3A_39 = arith.constant 0 : index
      %get3A_40 = vector.load %arg4[%get3A_38, %get3A_39] : memref<8x128xf32, #tpu.memory_space<vmem>>, vector<8x128xf32>
      %get3A_41 = arith.constant 0 : index
      %get3A_42 = arith.constant 0 : index
      %get3A_43 = vector.load %arg5[%get3A_41, %get3A_42] : memref<128x256xf32, #tpu.memory_space<vmem>>, vector<128x256xf32>
      %dot_general3A_44 = arith.constant dense<0.000000e+00> : vector<8x256xf32>
      %dot_general3A_45 = tpu.matmul %get3A_40, %get3A_43, %dot_general3A_44 {dimension_numbers = #tpu.dot_dimension_numbers<[1], [0], [0], [1], [0, 0, 1, 1], [], []>, transpose_lhs_hint = false} : vector<8x128xf32>, vector<128x256xf32>, vector<8x256xf32> -> vector<8x256xf32>
      %get3A_46 = arith.constant 0 : index
      %get3A_47 = arith.constant 0 : index
      %get3A_48 = vector.load %arg6[%get3A_46, %get3A_47] : memref<1x256xf32, #tpu.memory_space<vmem>>, vector<1x256xf32>
      %mul3A = vector.broadcast %get3A_48 : vector<1x256xf32> to vector<8x256xf32>
      %mul3A_49 = arith.mulf %dot_general3A_45, %mul3A : vector<8x256xf32>
      %slice3A_50 = vector.extract_strided_slice %mul3A_49 {offsets = [0, 0], sizes = [8, 128], strides = [1, 1]} : vector<8x256xf32> to vector<8x128xf32>
      %reduce_sum3A = arith.constant dense<0.000000e+00> : vector<8xf32>
      %reduce_sum3A_51 = vector.multi_reduction <add>, %slice3A_50, %reduce_sum3A [1] : vector<8x128xf32> to vector<8xf32>
      %broadcast_in_dim3A_52 = vector.shape_cast %reduce_sum3A_51 : vector<8xf32> to vector<8x1xf32>
      %slice3A_53 = vector.extract_strided_slice %mul3A_49 {offsets = [0, 128], sizes = [8, 128], strides = [1, 1]} : vector<8x256xf32> to vector<8x128xf32>
      %reduce_sum3A_54 = arith.constant dense<0.000000e+00> : vector<8xf32>
      %reduce_sum3A_55 = vector.multi_reduction <add>, %slice3A_53, %reduce_sum3A_54 [1] : vector<8x128xf32> to vector<8xf32>
      %broadcast_in_dim3A_56 = vector.shape_cast %reduce_sum3A_55 : vector<8xf32> to vector<8x1xf32>
      %concatenate3A = tpu.concatenate %broadcast_in_dim3A_52, %broadcast_in_dim3A_56 in 1 : vector<8x1xf32>, vector<8x1xf32> -> vector<8x2xf32>
      %swap3A_57 = arith.constant 0 : index
      %swap3A_58 = arith.constant 0 : index
      %swap3A_59 = vector.load %arg9[%swap3A_57, %swap3A_58] : memref<8x2xf32, #tpu.memory_space<vmem>>, vector<8x2xf32>
      tpu.vector_store %arg9[%swap3A_57, %swap3A_58], %concatenate3A {strides = array<i32>} : memref<8x2xf32, #tpu.memory_space<vmem>>, vector<8x2xf32>,
    } else {
    }
    return
  }
  func.func @transform_0(%arg0: i32) -> (i32, i32) {
    %c0_i32 = arith.constant 0 : i32
    %c0_i32_0 = arith.constant 0 : i32
    return %arg0, %c0_i32 : i32, i32
  }
  func.func @transform_1(%arg0: i32) -> (i32, i32) {
    %c0_i32 = arith.constant 0 : i32
    %c0_i32_0 = arith.constant 0 : i32
    %c0_i32_1 = arith.constant 0 : i32
    return %c0_i32, %c0_i32_0 : i32, i32
  }
  func.func @transform_2(%arg0: i32) -> (i32, i32) {
    %c0_i32 = arith.constant 0 : i32
    %c0_i32_0 = arith.constant 0 : i32
    %c0_i32_1 = arith.constant 0 : i32
    return %c0_i32, %c0_i32_0 : i32, i32
  }
  func.func @transform_3(%arg0: i32) -> (i32, i32) {
    %c0_i32 = arith.constant 0 : i32
    %c0_i32_0 = arith.constant 0 : i32
    %c0_i32_1 = arith.constant 0 : i32
    return %c0_i32, %c0_i32_0 : i32, i32
  }
  func.func @transform_4(%arg0: i32) -> (i32, i32) {
    %c0_i32 = arith.constant 0 : i32
    %c0_i32_0 = arith.constant 0 : i32
    %c0_i32_1 = arith.constant 0 : i32
    return %c0_i32, %c0_i32_0 : i32, i32
  }
  func.func @transform_5(%arg0: i32) -> (i32, i32) {
    %c0_i32 = arith.constant 0 : i32
    %c0_i32_0 = arith.constant 0 : i32
    %c0_i32_1 = arith.constant 0 : i32
    return %c0_i32, %c0_i32_0 : i32, i32
  }
  func.func @transform_6(%arg0: i32) -> (i32, i32) {
    %c0_i32 = arith.constant 0 : i32
    %c0_i32_0 = arith.constant 0 : i32
    return %arg0, %c0_i32 : i32, i32
  }
  func.func @transform_7(%arg0: i32) -> (i32, i32) {
    %c0_i32 = arith.constant 0 : i32
    %c0_i32_0 = arith.constant 0 : i32
    return %arg0, %c0_i32 : i32, i32
  }
  func.func @transform_8(%arg0: i32) -> (i32, i32) {
    %c0_i32 = arith.constant 0 : i32
    %c0_i32_0 = arith.constant 0 : i32
    %c0_i32_1 = arith.constant 0 : i32
    return %c0_i32, %c0_i32_0 : i32, i32
  }
}

module attributes {stable_mosaic.version = 14 : i64} {
  func.func @_merge_body(%arg0: i32, %arg1: memref<2x1000x144xf32, #tpu.memory_space<vmem>>, %arg2: memref<1000x128xf32, #tpu.memory_space<vmem>>) attributes {dimension_semantics = [#tpu.dimension_semantics<arbitrary>], iteration_bounds = array<i64: 10>, scalar_prefetch = 0 : i64, scratch_operands = 0 : i64, tpu.core_type = #tpu.core_type<tc>, window_params = [{transform_indices = @transform_0, window_bounds = array<i64: 2, 1000, 144>}, {transform_indices = @transform_1, window_bounds = array<i64: 1000, 128>}]} {
    %get3A = arith.constant 0 : index
    %get3A_0 = arith.constant 0 : index
    %get3A_1 = arith.constant 0 : index
    %get3A_2 = vector.load %arg1[%get3A, %get3A_0, %get3A_1] : memref<2x1000x144xf32, #tpu.memory_space<vmem>>, vector<1x1000x144xf32>
    %get3A_3 = vector.shape_cast %get3A_2 : vector<1x1000x144xf32> to vector<1000x144xf32>
    %get3A_4 = arith.constant 1 : index
    %get3A_5 = arith.constant 0 : index
    %get3A_6 = arith.constant 0 : index
    %get3A_7 = vector.load %arg1[%get3A_4, %get3A_5, %get3A_6] : memref<2x1000x144xf32, #tpu.memory_space<vmem>>, vector<1x1000x144xf32>
    %get3A_8 = vector.shape_cast %get3A_7 : vector<1x1000x144xf32> to vector<1000x144xf32>
    %add3A = arith.addf %get3A_3, %get3A_8 : vector<1000x144xf32>
    %slice3A = vector.extract_strided_slice %add3A {offsets = [0, 0], sizes = [1000, 128], strides = [1, 1]} : vector<1000x144xf32> to vector<1000x128xf32>
    %slice3A_9 = vector.extract_strided_slice %add3A {offsets = [0, 128], sizes = [1000, 1], strides = [1, 1]} : vector<1000x144xf32> to vector<1000x1xf32>
    %slice3A_10 = vector.extract_strided_slice %add3A {offsets = [0, 129], sizes = [1000, 1], strides = [1, 1]} : vector<1000x144xf32> to vector<1000x1xf32>
    %iota3A = tpu.iota {dimensions = array<i32: 1>} : vector<1000x128xi32>
    %lt3A = arith.constant 64 : i32
    %lt3A_11 = vector.broadcast %lt3A : i32 to vector<1000x128xi32>
    %lt3A_12 = arith.cmpi slt, %iota3A, %lt3A_11 : vector<1000x128xi32>
    %broadcast_in_dim3A = vector.shape_cast %slice3A_9 : vector<1000x1xf32> to vector<1000x1xf32>
    %broadcast_in_dim3A_13 = vector.broadcast %broadcast_in_dim3A : vector<1000x1xf32> to vector<1000x128xf32>
    %broadcast_in_dim3A_14 = vector.shape_cast %slice3A_10 : vector<1000x1xf32> to vector<1000x1xf32>
    %broadcast_in_dim3A_15 = vector.broadcast %broadcast_in_dim3A_14 : vector<1000x1xf32> to vector<1000x128xf32>
    %select_n3A = arith.select %lt3A_12, %broadcast_in_dim3A_13, %broadcast_in_dim3A_15 : vector<1000x128xi1>, vector<1000x128xf32>
    %add3A_16 = arith.constant 1.000000e-16 : f32
    %add3A_17 = vector.broadcast %add3A_16 : f32 to vector<1000x128xf32>
    %add3A_18 = arith.addf %select_n3A, %add3A_17 : vector<1000x128xf32>
    %div3A = arith.divf %slice3A, %add3A_18 : vector<1000x128xf32>
    %gt3A = arith.constant 0.000000e+00 : f32
    %gt3A_19 = vector.broadcast %gt3A : f32 to vector<1000x128xf32>
    %gt3A_20 = arith.cmpf ogt, %div3A, %gt3A_19 : vector<1000x128xf32>
    %exp3A = math.exp %div3A : vector<1000x128xf32>
    %sub3A = arith.constant 1.000000e+00 : f32
    %sub3A_21 = vector.broadcast %sub3A : f32 to vector<1000x128xf32>
    %sub3A_22 = arith.subf %exp3A, %sub3A_21 : vector<1000x128xf32>
    %select_n3A_23 = arith.select %gt3A_20, %div3A, %sub3A_22 : vector<1000x128xi1>, vector<1000x128xf32>
    %swap3A = arith.constant 0 : index
    %swap3A_24 = arith.constant 0 : index
    %swap3A_25 = vector.load %arg2[%swap3A, %swap3A_24] : memref<1000x128xf32, #tpu.memory_space<vmem>>, vector<1000x128xf32>
    tpu.vector_store %arg2[%swap3A, %swap3A_24], %select_n3A_23 {strides = array<i32>} : memref<1000x128xf32, #tpu.memory_space<vmem>>, vector<1000x128xf32>,
    return
  }
  func.func @transform_0(%arg0: i32) -> (i32, i32, i32) {
    %c0_i32 = arith.constant 0 : i32
    %c0_i32_0 = arith.constant 0 : i32
    %c0_i32_1 = arith.constant 0 : i32
    return %c0_i32, %arg0, %c0_i32_0 : i32, i32, i32
  }
  func.func @transform_1(%arg0: i32) -> (i32, i32) {
    %c0_i32 = arith.constant 0 : i32
    %c0_i32_0 = arith.constant 0 : i32
    return %arg0, %c0_i32 : i32, i32
  }
}

</mosaic_0001>

<sc_bundles>
// kernel: kernel.5.cloned.1.call-start
scs
__scs_entry_jumppad:
0x0: {  	(pc) =	sbr.rel $0x88, $3  }
0x1: {  	(tag) =	ssettag $0x0;
	lr =	simm.s32 $0x1  }
0x2: {  	[smem:$0x3F98] =	sst lr;
	_ =	strace $0xD0000000  }
0x3: {  	_ = 	snop  }
0x4: {  	_ = 	snop  }
0x5: {  	_ = 	snop  }
0x6: {  	_ = 	snop  }
0x7: {  	_ = 	snop  }
__scs_overlays_trampoline_lowered:
0x8: {  	[smem:$0x3FA7] =	sst s0  }
0x9: {  	[smem:$0x3FA8] =	sst s1  }
0xa: {  	[smem:$0x3FA9] =	sst s2  }
0xb: {  	[smem:$0x3FAA] =	sst s3  }
0xc: {  	[smem:$0x3FAB] =	sst s4  }
0xd: {  	[smem:$0x3FAC] =	sst s5  }
0xe: {  	[smem:$0x3FAD] =	sst s6  }
0xf: {  	[smem:$0x3FAE] =	sst s7  }
0x10: {  	[smem:$0x3FAF] =	sst s8  }
0x11: {  	[smem:$0x3FB0] =	sst s9;
	s0 =	simm.s32 @!p0 $0x0  }
0x12: {  	s1 =	sld [smem:$0x3F96];
	s0 =	simm.s32 @p0 $0x1  }
0x13: {  	[smem:$0x3FB1] =	sst s0;
	s0 =	simm.s32 @!p1 $0x0  }
0x14: {  	s2 =	sld [smem:$0x3F95];
	s0 =	simm.s32 @p1 $0x1  }
0x15: {  	[smem:$0x3FB2] =	sst s0;
	s0 =	simm.s32 @!p2 $0x0  }
0x16: {  	s3 =	sld [smem:$0x3FDB];
	s0 =	simm.s32 @p2 $0x1  }
0x17: {  	s4 =	simm.s32 $0x1BF5;
	[smem:$0x3FB4] =	sst s0  }
0x18: {  	s0 =	sld [smem:$0x3F97];
	_ =	swait.ge [sflag:s4], $0x0  }
0x19: {  	s7 =	sld [smem:$0x3F98]  }
0x1a: {  	s8 =	sadd.s32 $0xFFFFE003, lr  }
0x1b: {  	s9 =	sadd.s32 $0xFFFFFEF7, lr;
	s5 =	simm.s32 $0xFFFFFFFF;
	p2 =	slt.u32 s8, $0xFFFFF086  }
0x1c: {  	p1 =	slt.u32 s9, $0xF7A;
	s5 =	simm.s32 @!p2 $0x0  }
0x1d: {  	s5 =	simm.s32 @p1 $0x1;
	p0 =	seq.s32 s7, s2  }
0x1e: {  	s7 =	smul.u32 @!p0 $0xF7A, s2;
	p2 =	seq.s32 @!p0 s5, $0x0  }
0x1f: {  	s9 =	smul.u32 $0xF7A, s1;
	s8 =	simm.s32 @!p0 $0x1BF5;
	p2 =	por !p2, p0  }
0x20: {  	[sflag:s8] =	ssyncset.s32 @!p0 $0xFFFFF086;
	s6 =	sadd.s32 @!p0 s3, s7;
	s7 =	simm.s32 @!p0 $0x108  }
0x21: {  	s3 =	sadd.s32 s3, s9;
	s6 =	sadd.s32 @!p0 $0x88, s6;
	s7 =	simm.s32 @p2 $0x1082  }
0x22: {  	[simem:s7], [sflag:s8] =	dma.local @!p0 [hbm:s6], $0xF7A  }
0x23: {  	s9 =	sor.u32 $0xD0000000, s2;
	s6 =	simm.s32 $0x108;
	_ =	swait.ge @!p0 [sflag:s8], $0x0  }
0x24: {  	s3 =	sadd.s32 $0x88, s3;
	s6 =	simm.s32 @!p1 $0x1082;
	[sflag:s4] =	ssyncset.s32 $0xFFFFF086  }
0x25: {  	[simem:s6], [sflag:s4] =	dma.local [hbm:s3], $0xF7A  }
0x26: {  	[smem:$0x3F98] =	sst s1;
	(tag) =	ssettag s2;
	_ =	strace s9  }
0x27: {  	s1 =	sld [smem:$0x3FA8]  }
0x28: {  	s2 =	sld [smem:$0x3FA9]  }
0x29: {  	s4 =	sld [smem:$0x3FAB]  }
0x2a: {  	p0 =	seq.s32 s5, $0x0;
	s5 =	sld [smem:$0x3FAC]  }
0x2b: {  	s6 =	sld [smem:$0x3FAD]  }
0x2c: {  	s7 =	sld [smem:$0x3FAE]  }
0x2d: {  	s3 =	simm.s32 $0x108;
	s8 =	sld [smem:$0x3FAF]  }
0x2e: {  	s3 =	simm.s32 @!p0 $0x1082;
	s9 =	sld [smem:$0x3FB0]  }
0x2f: {  	lr =	sadd.s32 s0, s3;
	s0 =	sld [smem:$0x3FA7]  }
0x30: {  	s3 =	sld [smem:$0x3FAA]  }
0x31: {  	[smem:$0x3FB3] =	sst s10  }
0x32: {  	s10 =	sld [smem:$0x3FB1];
	_ =	sdelay $0x3  }
0x33: {  	p0 =	seq.s32 s10, $0x1;
	s10 =	sld [smem:$0x3FB3];
	_ =	sdelay $0x3  }
0x34: {  	[smem:$0x3FB3] =	sst s10  }
0x35: {  	s10 =	sld [smem:$0x3FB2];
	_ =	sdelay $0x3  }
0x36: {  	p1 =	seq.s32 s10, $0x1;
	s10 =	sld [smem:$0x3FB3];
	_ =	sdelay $0x3  }
0x37: {  	[smem:$0x3FB3] =	sst s10  }
0x38: {  	s10 =	sld [smem:$0x3FB4]  }
0x39: {  	_ = 	snop;
	(pc) =	sbr.ind lr, $3  }
0x3a: {  	_ = 	snop  }
0x3b: {  	_ = 	snop  }
0x3c: {  	p2 =	seq.s32 s10, $0x1;
	s10 =	sld [smem:$0x3FB3]  }
0x3d: {  	_ =	shalt  }
0x3e: {  	_ =	shalt  }
0x3f: {  	_ =	shalt  }
0x40: {  	_ =	shalt  }
0x41: {  	_ =	shalt  }
0x42: {  	_ =	shalt  }
0x43: {  	_ =	shalt  }
0x44: {  	_ =	shalt  }
0x45: {  	_ =	shalt  }
0x46: {  	_ =	shalt  }
0x47: {  	_ =	shalt  }
0x48: {  	_ =	shalt  }
0x49: {  	_ =	shalt  }
0x4a: {  	_ =	shalt  }
0x4b: {  	_ =	shalt  }
0x4c: {  	_ =	shalt  }
0x4d: {  	_ =	shalt  }
0x4e: {  	_ =	shalt  }
0x4f: {  	_ =	shalt  }
0x50: {  	_ =	shalt  }
0x51: {  	_ =	shalt  }
0x52: {  	_ =	shalt  }
0x53: {  	_ =	shalt  }
0x54: {  	_ =	shalt  }
0x55: {  	_ =	shalt  }
0x56: {  	_ =	shalt  }
0x57: {  	_ =	shalt  }
0x58: {  	_ =	shalt  }
0x59: {  	_ =	shalt  }
0x5a: {  	_ =	shalt  }
0x5b: {  	_ =	shalt  }
0x5c: {  	_ =	shalt  }
0x5d: {  	_ =	shalt  }
0x5e: {  	_ =	shalt  }
0x5f: {  	_ =	shalt  }
0x60: {  	_ =	shalt  }
0x61: {  	_ =	shalt  }
0x62: {  	_ =	shalt  }
0x63: {  	_ =	shalt  }
0x64: {  	_ =	shalt  }
0x65: {  	_ =	shalt  }
0x66: {  	_ =	shalt  }
0x67: {  	_ =	shalt  }
0x68: {  	_ =	shalt  }
0x69: {  	_ =	shalt  }
0x6a: {  	_ =	shalt  }
0x6b: {  	_ =	shalt  }
0x6c: {  	_ =	shalt  }
0x6d: {  	_ =	shalt  }
0x6e: {  	_ =	shalt  }
0x6f: {  	_ =	shalt  }
0x70: {  	_ =	shalt  }
0x71: {  	_ =	shalt  }
0x72: {  	_ =	shalt  }
0x73: {  	_ =	shalt  }
0x74: {  	_ =	shalt  }
0x75: {  	_ =	shalt  }
0x76: {  	_ =	shalt  }
0x77: {  	_ =	shalt  }
0x78: {  	_ =	shalt  }
0x79: {  	_ =	shalt  }
0x7a: {  	_ =	shalt  }
0x7b: {  	_ =	shalt  }
0x7c: {  	_ =	shalt  }
0x7d: {  	_ =	shalt  }
0x7e: {  	_ =	shalt  }
0x7f: {  	_ =	shalt  }
0x80: {  	_ =	shalt  }
0x81: {  	_ =	shalt  }
0x82: {  	_ =	shalt  }
0x83: {  	_ =	shalt  }
0x84: {  	_ =	shalt  }
0x85: {  	_ =	shalt  }
0x86: {  	_ =	shalt  }
0x87: {  	_ =	shalt  }
.Lfunc_end0:
.L_simem_size_0:
called_computation_lowered:
.L_overlay_start_0:
0x88: {  	s2 =	sld [smem:$0x3FD9]  }
0x89: {  	s3 =	sld [smem:$0x3FFE];
	_ =	sdelay $0x1  }
0x8a: {  	s1 =	srdreg.scid  }
0x8b: {  	s0 =	sand.u32 $0x1, s1  }
0x8c: {  	s17 =	sshll.u32 s0, $0xA;
	s2 =	sadd.s32 s3, s2  }
0x8d: {  	s2 =	sadd.s32 s2, s17  }
0x8e: {  	[smem:$0x3FBF] =	sst s2  }
0x8f: {  	_ = 	snop  }
0x90: {  	s2 =	sld [smem:$0x3FD0];
	(tm) =	ssettm $0x1  }
0x91: {  	s18 =	sld [smem:$0x3FFB];
	_ =	sdelay $0x3  }
0x92: {  	_ =	strace s18  }
0x93: {  	s3 =	sld [smem:$0x3FFC];
	_ =	sdelay $0x3  }
0x94: {  	_ =	strace s3  }
0x95: {  	s3 =	sld [smem:$0x3FFD];
	_ =	sdelay $0x3  }
0x96: {  	_ =	strace s3  }
0x97: {  	_ =	strace $0x8FFFFFFF  }
0x98: {  	s19 =	sld [smem:$0x3FDB];
	_ =	sdelay $0x1  }
0x99: {  	s4 =	simm.s32 $_scs_section_size  }
0x9a: {  	s5 =	simm.s32 $_size__tile_overlayer_lowered;
	s6 =	simm.s32 $_tile_overlayer_lowered  }
0x9b: {  	s22 =	simm.s32 $0x1BFF;
	s21 =	sshll.u32 s6, $0x1;
	s3 =	sadd.s32 s4, s19  }
0x9c: {  	s7 =	simm.s32 $0x0;
	s20 =	sshll.u32 s5, $0x1;
	s5 =	sadd.s32 s21, s3  }
0x9d: {  	[timem:s7], [sflag:s22] =	dma.local [hbm:s5], s20  }
0x9e: {  	_ =	swait.ge [sflag:s22], s20  }
0x9f: {  	s4 =	ssub.s32 $0x0, s20;
	[sflag:s22] =	ssyncset.done $0x0  }
0xa0: {  	[sflag:s22] =	ssyncadd.s32 s4;
	_ =	sdelay $0x1  }
0xa1: {  	s23 =	simm.s32 $0x1B8B  }
0xa2: {  	_ =	swait.ge [sflag:s23], $0x1  }
0xa3: {  	[sflag:s23] =	ssyncset.done $0x0  }
0xa4: {  	s25 =	simm.s32 $0x1B8E;
	s24 =	sld [smem:$0x3FFE];
	[sflag:s23] =	ssyncadd.s32 $0xFFFFFFFF  }
0xa5: {  	s26 =	simm.s32 $execute0_lowered;
	[smem:$0x3FD2] =	sst s25  }
0xa6: {  	s5 =	sshll.u32 s26, $0x1;
	_ =	strace $0x80000046;
	[dreg:$0x1] =	wrdreg $0xFFFFFFFF  }
0xa7: {  	s28 =	simm.s32 $_size_execute0_lowered;
	s3 =	sadd.s32 s3, s5;
	[dreg:$0x0] =	wrdreg $0x0  }
0xa8: {  	s5 =	sshll.u32 s28, $0x1;
	[dreg:$0x2] =	wrdreg s3  }
0xa9: {  	[dreg:$0x3] =	wrdreg s5  }
0xaa: {  	[dreg:$0x4] =	wrdreg $0xC0  }
0xab: {  	_ =	task [dreg:s7], $0x5FFFF  }
0xac: {  	[dreg:$0x1] =	wrdreg $0xFFFFFFFF  }
0xad: {  	[dreg:$0x0] =	wrdreg $0x60  }
0xae: {  	[dreg:$0x2] =	wrdreg s24  }
0xaf: {  	[dreg:$0x3] =	wrdreg s2  }
0xb0: {  	[dreg:$0x4] =	wrdreg $0x98D00  }
0xb1: {  	[dreg:$0x5] =	wrdreg $0x9  }
0xb2: {  	_ =	task.clear_ibuf [dreg:s7], $0x6FFFF;
	_ =	strace $0x90000046  }
0xb3: {  	s29 =	simm.s32 $0x9;
	_ =	strace $0x80000048  }
0xb4: {  	_ =	swait.ge [sflag:s29], $0x1  }
0xb5: {  	[sflag:s29] =	ssyncadd.s32 $0xFFFFFFFF  }
0xb6: {  	_ =	strace $0x90000048  }
0xb7: {  	_ =	sfence  }
0xb8: {  	s30 =	sld [smem:$0x0];
	_ =	sdelay $0x2  }
0xb9: {  	s31 =	sshll.u32 s1, $0xD;
	s1 =	sshrl.u32 s1, $0x2  }
0xba: {  	s3 =	sand.u32 $0x4000, s31;
	s1 =	sadd.s32 s1, s30  }
0xbb: {  	s0 =	sor.u32 s3, s0;
	s1 =	sshll.u32 s1, $0x11  }
0xbc: {  	s0 =	sor.u32 s1, s0  }
0xbd: {  	s0 =	sadd.s32 $0x8F2B, s0  }
0xbe: {  	[sflag:s0] =	ssyncadd.remote.s32 $0x1  }
0xbf: {  	_ =	sfence.sel $0xFFFF  }
0xc0: {  	[dreg:$0x0] =	wrdreg $0xFFFFFFFF;
	(pc) =	sbr.abs _section_cstart, $3  }
0xc1: {  	[dreg:$0x1] =	wrdreg $0xFFFFFFFF  }
0xc2: {  	_ =	task.clear_ibuf [dreg:s7], $0x2FFFF;
	_ =	strace $0x9FFFFFFF  }
0xc3: {  	(tm) =	ssettm $0x7FFFFFFF  }
tec
execute0_lowered:
.L_overlay_start_1:
0x0: {  	(tag) =	ssettag $0x1  }
0x1: {  	s0 =	rddreg [dreg:$0x0]  }
0x2: {  	s1 =	rddreg [dreg:$0x1]  }
0x3: {  	s2 =	rddreg [dreg:$0x2]  }
0x4: {  	s3 =	simm.s32 $0x0;
	s24 =	srdreg.scid;
	s11 =	stileid.u32  }
0x5: {  	s28 =	simm.s32 $0x4EB0;
	s29 =	simm.s32 $0x4F30;
	s30 =	simm.s32 $0x80  }
0x6: {  	s31 =	simm.s32 $0x1;
	[smem:$0x7FF] =	sst s3;
	s4 =	sadd.s32 $0xA800, s0  }
0x7: {  	s5 =	sadd.s32 $0x36A00, s0;
	s6 =	sadd.s32 $0x36800, s0;
	s8 =	sadd.s32 $0x5800, s0  }
0x8: {  	s9 =	sadd.s32 $0x800, s0;
	s17 =	smul.u32 $0x15F90, s11;
	s21 =	sshll.u32 s11, $0x1  }
0x9: {  	_ =	strace $0x80000047;
	[dreg:$0x4] =	wrdreg s5;
	s5 =	sand.u32 $0x1, s24  }
0xa: {  	[dreg:$0x5] =	wrdreg s6;
	s25 =	smul.u32 $0x2BF20, s5;
	s7 =	ssub.s32 $0x2, s5  }
0xb: {  	s5 =	sor.u32 s5, s21;
	s22 =	sadd.s32 $0x4800, s17;
	s18 =	sadd.s32 $0x9000, s17  }
0xc: {  	s19 =	sadd.s32 $0xD800, s17;
	s20 =	sadd.s32 $0x12000, s17;
	s23 =	sshrl.u32 s17, $0x3  }
0xd: {  	s10 =	sshrl.u32 s7, $0x1;
	s11 =	sadd.s32 s22, s2;
	s12 =	sadd.s32 s18, s2  }
0xe: {  	v0 =	vlaneseq.u32;
	s13 =	smul.u32 $0x28, s5;
	s14 =	sadd.s32 s19, s2;
	s15 =	sadd.s32 s20, s2  }
0xf: {  	v16 =	vmul.u32 $0x90, v0;
	s16 =	smul.u32 $0x1400, s5;
	s24 =	sshrl.u32 s18, $0x3;
	s21 =	sshrl.u32 s19, $0x3  }
0x10: {  	vm0 =	vcmask $0x704;
	s20 =	sshrl.u32 s20, $0x3;
	s18 =	simm.s32 $0x2;
	s19 =	simm.s32 $0x4E20  }
0x11: {  	vm1 =	vmmov $0x1;
	v0 =	vimm.f32 $0.0e+00;
	v1 =	vadd.s32 $0x82, v16;
	s0 =	sadd.s32 s25, s0;
	s26 =	ssub.s32 s7, s10;
	s10 =	sadd.s32 s17, s2  }
0x12: {  	v2 =	vadd.s32 $0x83, v16;
	v3 =	vadd.s32 $0x982, v16;
	v4 =	vadd.s32 $0x983, v16;
	s7 =	sshrl.u32 s22, $0x3;
	s0 =	sadd.s32 $0x37400, s0;
	s6 =	smax.u32 s26, $0x1  }
0x13: {  	v5 =	vadd.s32 $0x1282, v16;
	v6 =	vadd.s32 $0x1283, v16;
	v7 =	vadd.s32 $0x1B82, v16;
	[dreg:$0x6] =	wrdreg s6;
	s5 =	sadd.s32 s23, s0;
	s25 =	sadd.s32 s7, s0  }
0x14: {  	v8 =	vadd.s32 $0x1B83, v16;
	v9 =	vadd.s32 $0x2482, v16;
	v10 =	vadd.s32 $0x2483, v16;
	s26 =	sadd.s32 s24, s0;
	s23 =	sadd.s32 s21, s0;
	[dreg:$0x7] =	wrdreg s5  }
0x15: {  	v11 =	vadd.s32 $0x2D82, v16;
	v12 =	vadd.s32 $0x2D83, v16;
	v13 =	vadd.s32 $0x3682, v16;
	s24 =	sadd.s32 s20, s0;
	s0 =	simm.s32 $0x0;
	[dreg:$0x8] =	wrdreg s25  }
0x16: {  	v14 =	vadd.s32 $0x3683, v16;
	v15 =	vadd.s32 $0x3F82, v16;
	v16 =	vadd.s32 $0x3F83, v16;
	[dreg:$0x9] =	wrdreg s26;
	s25 =	simm.s32 $0x4FB0;
	s26 =	simm.s32 $0x4E30  }
.LBB2_1:
0x17: {  	s5 =	rddreg [dreg:$0x4]  }
0x18: {  	[tilespmem:s3], [sflag:$0x2] =	stream.linear.gather [hbm4b:s5+s3], $0x4E20, $0x38;
	[tilespmem:$0x1F860] =	vst v63  }
0x19: {  	_ =	swait.ge [sflag:s18], $0x4E20  }
0x1a: {  	[sflag:s18] =	ssyncset.done $0x0  }
0x1b: {  	s22 =	rddreg [dreg:$0x5];
	[sflag:s18] =	ssyncadd.s32 $0xFFFFB1E0  }
0x1c: {  	[tilespmem:s19], [sflag:$0x2] =	stream.linear.gather [hbm4b:s22+s3], $0x10, $0x38;
	[tilespmem:$0x1F860] =	vst v63  }
0x1d: {  	_ =	swait.ge [sflag:s18], $0x10  }
0x1e: {  	[sflag:s18] =	ssyncset.done $0x0  }
0x1f: {  	s6 =	simm.s32 $0x240;
	s5 =	simm.s32 $0x0;
	[sflag:s18] =	ssyncadd.s32 $0xFFFFFFF0  }
.LBB2_2:
0x20: {  	p0 =	sne.s32 s6, $0x11DC0;
	[tilespmem:s5+$0x5030] =	vst v0  }
0x21: {  	[tilespmem:s5+$0x4FB0] =	vst v0  }
0x22: {  	[tilespmem:s5+$0x4FC0] =	vst v0  }
0x23: {  	[tilespmem:s5+$0x4FD0] =	vst v0  }
.Ltmp0:
0x24: {  	[tilespmem:s5+$0x4FE0] =	vst v0;
	(pc) =	sbr.rel @p0 .LBB2_2-.Ltmp0, $4  }
0x25: {  	[tilespmem:s5+$0x4FF0] =	vst v0  }
0x26: {  	[tilespmem:s5+$0x5000] =	vst v0  }
0x27: {  	[tilespmem:s5+$0x5010] =	vst v0  }
0x28: {  	[tilespmem:s5+$0x5020] =	vst v0;
	s5 =	sshra.s32 s6, $0x2;
	s6 =	sadd.s32 $0x240, s6  }
0x29: {  	[tilespmem:s5+$0x5030] =	vst v0  }
0x2a: {  	[tilespmem:s5+$0x4FB0] =	vst v0  }
0x2b: {  	[tilespmem:s5+$0x4FC0] =	vst v0  }
0x2c: {  	[tilespmem:s5+$0x4FD0] =	vst v0  }
0x2d: {  	[tilespmem:s5+$0x4FE0] =	vst v0  }
0x2e: {  	[tilespmem:s5+$0x4FF0] =	vst v0  }
0x2f: {  	[tilespmem:s5+$0x5000] =	vst v0  }
0x30: {  	[tilespmem:s5+$0x5010] =	vst v0  }
0x31: {  	[tilespmem:s5+$0x5020] =	vst v0  }
0x32: {  	[spmem:s10] =	stream.linear.scatter [tilespmem:s25], [sflag:$0x2], $0x4800, $0x38;
	[tilespmem:$0x1F860] =	vst v63  }
0x33: {  	_ =	swait.ge [sflag:s18], $0x4800  }
0x34: {  	[sflag:s18] =	ssyncset.done $0x0  }
0x35: {  	[sflag:s18] =	ssyncadd.s32 $0xFFFFB800  }
0x36: {  	[spmem:s11] =	stream.linear.scatter [tilespmem:s25], [sflag:$0x2], $0x4800, $0x38;
	[tilespmem:$0x1F860] =	vst v63  }
0x37: {  	_ =	swait.ge [sflag:s18], $0x4800  }
0x38: {  	[sflag:s18] =	ssyncset.done $0x0  }
0x39: {  	[sflag:s18] =	ssyncadd.s32 $0xFFFFB800  }
0x3a: {  	[spmem:s12] =	stream.linear.scatter [tilespmem:s25], [sflag:$0x2], $0x4800, $0x38;
	[tilespmem:$0x1F860] =	vst v63  }
0x3b: {  	_ =	swait.ge [sflag:s18], $0x4800  }
0x3c: {  	[sflag:s18] =	ssyncset.done $0x0  }
0x3d: {  	[sflag:s18] =	ssyncadd.s32 $0xFFFFB800  }
0x3e: {  	[spmem:s14] =	stream.linear.scatter [tilespmem:s25], [sflag:$0x2], $0x4800, $0x38;
	[tilespmem:$0x1F860] =	vst v63  }
0x3f: {  	_ =	swait.ge [sflag:s18], $0x4800  }
0x40: {  	[sflag:s18] =	ssyncset.done $0x0  }
0x41: {  	[sflag:s18] =	ssyncadd.s32 $0xFFFFB800  }
0x42: {  	[spmem:s15] =	stream.linear.scatter [tilespmem:s25], [sflag:$0x2], $0x3F90, $0x38;
	[tilespmem:$0x1F860] =	vst v63  }
0x43: {  	_ =	swait.ge [sflag:s18], $0x3F90  }
0x44: {  	[sflag:s18] =	ssyncset.done $0x0  }
0x45: {  	[sflag:s18] =	ssyncadd.s32 $0xFFFFC070  }
0x46: {  	s6 =	simm.s32 $0x0;
	s5 =	simm.s32 $0x0;
	[bflag:$0x0] =	sbarrier.arrive $0xFFFF  }
.LBB2_4:
0x47: {  	s7 =	sadd.s32 s13, s5  }
0x48: {  	s7 =	sshll.u32 s7, $0x4  }
0x49: {  	s17 =	sadd.s32 s1, s7  }
0x4a: {  	[tilespmem:s26], [sflag:$0x2] =	stream.linear.gather [hbm4b:s17+s6], $0x80, $0x38;
	[tilespmem:$0x1F860] =	vst v63  }
0x4b: {  	_ =	swait.ge [sflag:s18], $0x80  }
0x4c: {  	[sflag:s18] =	ssyncset.done $0x0  }
0x4d: {  	s20 =	sadd.s32 s8, s7;
	[sflag:s18] =	ssyncadd.s32 $0xFFFFFF80  }
0x4e: {  	[tilespmem:s28], [sflag:$0x2] =	stream.linear.gather [hbm4b:s20+s6], $0x80, $0x38;
	[tilespmem:$0x1F860] =	vst v63  }
0x4f: {  	_ =	swait.ge [sflag:s18], $0x80  }
0x50: {  	[sflag:s18] =	ssyncset.done $0x0  }
0x51: {  	s7 =	sadd.s32 s9, s7;
	[sflag:s18] =	ssyncadd.s32 $0xFFFFFF80  }
0x52: {  	[tilespmem:s29], [sflag:$0x2] =	stream.linear.gather [hbm4b:s7+s6], $0x80, $0x38;
	[tilespmem:$0x1F860] =	vst v63  }
0x53: {  	_ =	swait.ge [sflag:s18], $0x80  }
0x54: {  	[sflag:s18] =	ssyncset.done $0x0  }
0x55: {  	[sflag:s18] =	ssyncadd.s32 $0xFFFFFF80  }
0x56: {  	[tilespmem:s25], [sflag:$0x1] =	stream.indirect.gather [hbm4b:s4+s30], $0x90, s26, s30, $0xb8;
	[tilespmem:$0x1F860] =	vst v63  }
0x57: {  	_ =	swait.ge [sflag:s31], $0x4800  }
0x58: {  	[sflag:s31] =	ssyncset.done $0x0  }
0x59: {  	[sflag:s31] =	ssyncadd.s32 $0xFFFFB800  }
0x5a: {  	v17 =	vld [tilespmem:$0x4EB0]  }
0x5b: {  	v18 =	vld [tilespmem:$0x4F30];
	_ =	sdelay $0x3  }
0x5c: {  	v17 =	vshll.u32 v17, $0x1  }
0x5d: {  	v18 =	vshll.u32 v18, $0x1  }
0x5e: {  	v19 =	vor.u32 $0x1, v17  }
0x5f: {  	v20 =	vld.idx.msk [tilespmem:v1+s25+$0x0], $0xffff  }
0x60: {  	v22 =	vld.idx.msk [tilespmem:v2+s25+$0x0], $0xffff;
	v21 =	vor.u32 $0x1, v18  }
0x61: {  	v17 =	vld.idx.msk [tilespmem:v17+s6+$0x0], $0xffff  }
0x62: {  	v18 =	vld.idx.msk [tilespmem:v18+s19+$0x0], $0xffff  }
0x63: {  	v19 =	vld.idx.msk [tilespmem:v19+s6+$0x0], $0xffff;
	_ =	sdelay $0x1  }
0x64: {  	v21 =	vld.idx.msk [tilespmem:v21+s19+$0x0], $0xffff  }
0x65: {  	v20 =	vadd.f32 v17, v20;
	_ =	sdelay $0x1  }
0x66: {  	v18 =	vadd.f32 v18, v20;
	v20 =	vadd.f32 v19, v22;
	_ =	sdelay $0x1  }
0x67: {  	v22 =	vmul.f32 $2.000000030e-01, v18;
	v20 =	vadd.f32 v21, v20  }
0x68: {  	v23 =	vmul.f32 $2.000000030e-01, v19;
	vm2 =	vgt.f32 v18, $0.0e+00;
	v21 =	vmul.f32 $2.000000030e-01, v17  }
0x69: {  	v18 =	vsel vm2, v18, v22;
	vm2 =	vgt.f32 v17, $0.0e+00;
	v22 =	vmul.f32 $2.000000030e-01, v20  }
0x6a: {  	vm3 =	vgt.f32 v19, $0.0e+00;
	v17 =	vsel vm2, v17, v21;
	vm2 =	vgt.f32 v20, $0.0e+00  }
0x6b: {  	v19 =	vsel vm3, v19, v23;
	v17 =	vsub.f32 v18, v17;
	v18 =	vsel vm2, v20, v22  }
0x6c: {  	v18 =	vsub.f32 v18, v19  }
0x6d: {  	v17 =	vmul.f32 $1.442695020e+00, v17  }
0x6e: {  	v18 =	vmul.f32 $1.442695020e+00, v18  }
0x6f: {  	(erf) = vpow2.f32 v17  }
0x70: {  	(erf) = vpow2.f32 v18;
	_ =	sdelay $0x2  }
0x71: {  	v17 =	vld [tilespmem:$0x4EC0];
	_ =	sdelay $0x1  }
0x72: {  	v18 =	vld [tilespmem:$0x4F40]  }
0x73: {  	s21 =	sshll.u32 s5, $0x7  }
0x74: {  	s7 =	sadd.s32 s16, s21  }
0x75: {  	p0 =	slt.u32 s7, $0x27100;
	v17 =	vshll.u32 v17, $0x1;
	v19 =	vpop (erf)  }
0x76: {  	v20 =	vpop (erf);
	v19 =	vpsel !p0, $0x0, v19  }
0x77: {  	v18 =	vshll.u32 v18, $0x1;
	[tilespmem:$0x97B0] =	vst v19;
	v19 =	vpsel !p0, $0x0, v20  }
0x78: {  	[tilespmem:$0x9840] =	vst v19;
	v19 =	vor.u32 $0x1, v17  }
0x79: {  	v20 =	vld.idx.msk [tilespmem:v3+s25+$0x0], $0xffff  }
0x7a: {  	v21 =	vor.u32 $0x1, v18;
	v17 =	vld.idx.msk [tilespmem:v17+s6+$0x0], $0xffff  }
0x7b: {  	v22 =	vld.idx.msk [tilespmem:v4+s25+$0x0], $0xffff  }
0x7c: {  	v18 =	vld.idx.msk [tilespmem:v18+s19+$0x0], $0xffff  }
0x7d: {  	v19 =	vld.idx.msk [tilespmem:v19+s6+$0x0], $0xffff;
	_ =	sdelay $0x1  }
0x7e: {  	v21 =	vld.idx.msk [tilespmem:v21+s19+$0x0], $0xffff  }
0x7f: {  	v20 =	vadd.f32 v17, v20;
	_ =	sdelay $0x1  }
0x80: {  	v18 =	vadd.f32 v18, v20;
	v20 =	vadd.f32 v19, v22;
	_ =	sdelay $0x1  }
0x81: {  	v22 =	vmul.f32 $2.000000030e-01, v18;
	v20 =	vadd.f32 v21, v20  }
0x82: {  	vm2 =	vgt.f32 v18, $0.0e+00;
	v23 =	vmul.f32 $2.000000030e-01, v19;
	v21 =	vmul.f32 $2.000000030e-01, v17  }
0x83: {  	v18 =	vsel vm2, v18, v22;
	vm2 =	vgt.f32 v17, $0.0e+00;
	v22 =	vmul.f32 $2.000000030e-01, v20  }
0x84: {  	vm3 =	vgt.f32 v19, $0.0e+00;
	v17 =	vsel vm2, v17, v21;
	vm2 =	vgt.f32 v20, $0.0e+00  }
0x85: {  	v19 =	vsel vm3, v19, v23;
	v17 =	vsub.f32 v18, v17;
	v18 =	vsel vm2, v20, v22  }
0x86: {  	v18 =	vsub.f32 v18, v19  }
0x87: {  	v17 =	vmul.f32 $1.442695020e+00, v17  }
0x88: {  	v18 =	vmul.f32 $1.442695020e+00, v18  }
0x89: {  	(erf) = vpow2.f32 v17  }
0x8a: {  	(erf) = vpow2.f32 v18;
	_ =	sdelay $0x2  }
0x8b: {  	v17 =	vld [tilespmem:$0x4ED0];
	_ =	sdelay $0x1  }
0x8c: {  	v18 =	vld [tilespmem:$0x4F50];
	_ =	sdelay $0x1  }
0x8d: {  	s22 =	sor.u32 $0x10, s7  }
0x8e: {  	p6 =	slt.u32 s22, $0x27100;
	v17 =	vshll.u32 v17, $0x1;
	v19 =	vpop (erf)  }
0x8f: {  	v19 =	vpsel !p6, $0x0, v19;
	v20 =	vpop (erf)  }
0x90: {  	v18 =	vshll.u32 v18, $0x1;
	[tilespmem:$0x97C0] =	vst v19;
	v19 =	vpsel !p6, $0x0, v20  }
0x91: {  	[tilespmem:$0x9850] =	vst v19;
	v19 =	vor.u32 $0x1, v17  }
0x92: {  	v20 =	vld.idx.msk [tilespmem:v5+s25+$0x0], $0xffff  }
0x93: {  	v21 =	vor.u32 $0x1, v18;
	v17 =	vld.idx.msk [tilespmem:v17+s6+$0x0], $0xffff  }
0x94: {  	v22 =	vld.idx.msk [tilespmem:v6+s25+$0x0], $0xffff  }
0x95: {  	v18 =	vld.idx.msk [tilespmem:v18+s19+$0x0], $0xffff  }
0x96: {  	v19 =	vld.idx.msk [tilespmem:v19+s6+$0x0], $0xffff;
	_ =	sdelay $0x1  }
0x97: {  	v21 =	vld.idx.msk [tilespmem:v21+s19+$0x0], $0xffff  }
0x98: {  	v20 =	vadd.f32 v17, v20;
	_ =	sdelay $0x1  }
0x99: {  	v18 =	vadd.f32 v18, v20;
	v20 =	vadd.f32 v19, v22;
	_ =	sdelay $0x1  }
0x9a: {  	v22 =	vmul.f32 $2.000000030e-01, v18;
	v20 =	vadd.f32 v21, v20  }
0x9b: {  	vm2 =	vgt.f32 v18, $0.0e+00;
	v23 =	vmul.f32 $2.000000030e-01, v19;
	v21 =	vmul.f32 $2.000000030e-01, v17  }
0x9c: {  	v18 =	vsel vm2, v18, v22;
	vm2 =	vgt.f32 v17, $0.0e+00;
	v22 =	vmul.f32 $2.000000030e-01, v20  }
0x9d: {  	vm3 =	vgt.f32 v19, $0.0e+00;
	v17 =	vsel vm2, v17, v21;
	vm2 =	vgt.f32 v20, $0.0e+00  }
0x9e: {  	v19 =	vsel vm3, v19, v23;
	v17 =	vsub.f32 v18, v17;
	v18 =	vsel vm2, v20, v22  }
0x9f: {  	v18 =	vsub.f32 v18, v19  }
0xa0: {  	v17 =	vmul.f32 $1.442695020e+00, v17  }
0xa1: {  	v18 =	vmul.f32 $1.442695020e+00, v18  }
0xa2: {  	(erf) = vpow2.f32 v17  }
0xa3: {  	(erf) = vpow2.f32 v18;
	_ =	sdelay $0x2  }
0xa4: {  	v17 =	vld [tilespmem:$0x4EE0];
	_ =	sdelay $0x1  }
0xa5: {  	v18 =	vld [tilespmem:$0x4F60];
	_ =	sdelay $0x1  }
0xa6: {  	s20 =	sor.u32 $0x20, s7  }
0xa7: {  	p1 =	slt.u32 s20, $0x27100;
	v17 =	vshll.u32 v17, $0x1;
	v19 =	vpop (erf)  }
0xa8: {  	v19 =	vpsel !p1, $0x0, v19;
	v20 =	vpop (erf)  }
0xa9: {  	v18 =	vshll.u32 v18, $0x1;
	[tilespmem:$0x97D0] =	vst v19;
	v19 =	vpsel !p1, $0x0, v20  }
0xaa: {  	[tilespmem:$0x9860] =	vst v19;
	v19 =	vor.u32 $0x1, v17  }
0xab: {  	v20 =	vld.idx.msk [tilespmem:v7+s25+$0x0], $0xffff  }
0xac: {  	v21 =	vor.u32 $0x1, v18;
	v17 =	vld.idx.msk [tilespmem:v17+s6+$0x0], $0xffff  }
0xad: {  	v22 =	vld.idx.msk [tilespmem:v8+s25+$0x0], $0xffff  }
0xae: {  	v18 =	vld.idx.msk [tilespmem:v18+s19+$0x0], $0xffff  }
0xaf: {  	v19 =	vld.idx.msk [tilespmem:v19+s6+$0x0], $0xffff;
	_ =	sdelay $0x1  }
0xb0: {  	v21 =	vld.idx.msk [tilespmem:v21+s19+$0x0], $0xffff  }
0xb1: {  	v20 =	vadd.f32 v17, v20;
	_ =	sdelay $0x1  }
0xb2: {  	v18 =	vadd.f32 v18, v20;
	v20 =	vadd.f32 v19, v22;
	_ =	sdelay $0x1  }
0xb3: {  	v22 =	vmul.f32 $2.000000030e-01, v18;
	v20 =	vadd.f32 v21, v20  }
0xb4: {  	vm2 =	vgt.f32 v18, $0.0e+00;
	v23 =	vmul.f32 $2.000000030e-01, v19;
	v21 =	vmul.f32 $2.000000030e-01, v17  }
0xb5: {  	v18 =	vsel vm2, v18, v22;
	vm2 =	vgt.f32 v17, $0.0e+00;
	v22 =	vmul.f32 $2.000000030e-01, v20  }
0xb6: {  	vm3 =	vgt.f32 v19, $0.0e+00;
	v17 =	vsel vm2, v17, v21;
	vm2 =	vgt.f32 v20, $0.0e+00  }
0xb7: {  	v19 =	vsel vm3, v19, v23;
	v17 =	vsub.f32 v18, v17;
	v18 =	vsel vm2, v20, v22  }
0xb8: {  	v18 =	vsub.f32 v18, v19  }
0xb9: {  	v17 =	vmul.f32 $1.442695020e+00, v17  }
0xba: {  	v18 =	vmul.f32 $1.442695020e+00, v18  }
0xbb: {  	(erf) = vpow2.f32 v17  }
0xbc: {  	(erf) = vpow2.f32 v18;
	_ =	sdelay $0x2  }
0xbd: {  	v17 =	vld [tilespmem:$0x4EF0];
	_ =	sdelay $0x1  }
0xbe: {  	v18 =	vld [tilespmem:$0x4F70];
	_ =	sdelay $0x1  }
0xbf: {  	s21 =	sor.u32 $0x30, s7  }
0xc0: {  	p2 =	slt.u32 s21, $0x27100;
	v17 =	vshll.u32 v17, $0x1;
	v19 =	vpop (erf)  }
0xc1: {  	v19 =	vpsel !p2, $0x0, v19;
	v20 =	vpop (erf)  }
0xc2: {  	v18 =	vshll.u32 v18, $0x1;
	[tilespmem:$0x97E0] =	vst v19;
	v19 =	vpsel !p2, $0x0, v20  }
0xc3: {  	[tilespmem:$0x9870] =	vst v19;
	v19 =	vor.u32 $0x1, v17  }
0xc4: {  	v20 =	vld.idx.msk [tilespmem:v9+s25+$0x0], $0xffff  }
0xc5: {  	v21 =	vor.u32 $0x1, v18;
	v17 =	vld.idx.msk [tilespmem:v17+s6+$0x0], $0xffff  }
0xc6: {  	v22 =	vld.idx.msk [tilespmem:v10+s25+$0x0], $0xffff  }
0xc7: {  	v18 =	vld.idx.msk [tilespmem:v18+s19+$0x0], $0xffff  }
0xc8: {  	v19 =	vld.idx.msk [tilespmem:v19+s6+$0x0], $0xffff;
	_ =	sdelay $0x1  }
0xc9: {  	v21 =	vld.idx.msk [tilespmem:v21+s19+$0x0], $0xffff  }
0xca: {  	v20 =	vadd.f32 v17, v20;
	_ =	sdelay $0x1  }
0xcb: {  	v18 =	vadd.f32 v18, v20;
	v20 =	vadd.f32 v19, v22;
	_ =	sdelay $0x1  }
0xcc: {  	v22 =	vmul.f32 $2.000000030e-01, v18;
	v20 =	vadd.f32 v21, v20  }
0xcd: {  	vm2 =	vgt.f32 v18, $0.0e+00;
	v23 =	vmul.f32 $2.000000030e-01, v19;
	v21 =	vmul.f32 $2.000000030e-01, v17  }
0xce: {  	v18 =	vsel vm2, v18, v22;
	vm2 =	vgt.f32 v17, $0.0e+00;
	v22 =	vmul.f32 $2.000000030e-01, v20  }
0xcf: {  	vm3 =	vgt.f32 v19, $0.0e+00;
	v17 =	vsel vm2, v17, v21;
	vm2 =	vgt.f32 v20, $0.0e+00  }
0xd0: {  	v19 =	vsel vm3, v19, v23;
	v17 =	vsub.f32 v18, v17;
	v18 =	vsel vm2, v20, v22  }
0xd1: {  	v18 =	vsub.f32 v18, v19  }
0xd2: {  	v17 =	vmul.f32 $1.442695020e+00, v17  }
0xd3: {  	v18 =	vmul.f32 $1.442695020e+00, v18  }
0xd4: {  	(erf) = vpow2.f32 v17  }
0xd5: {  	(erf) = vpow2.f32 v18;
	_ =	sdelay $0x2  }
0xd6: {  	v17 =	vld [tilespmem:$0x4F00];
	_ =	sdelay $0x1  }
0xd7: {  	v18 =	vld [tilespmem:$0x4F80];
	_ =	sdelay $0x1  }
0xd8: {  	s22 =	sor.u32 $0x40, s7  }
0xd9: {  	p3 =	slt.u32 s22, $0x27100;
	v17 =	vshll.u32 v17, $0x1;
	v19 =	vpop (erf)  }
0xda: {  	v19 =	vpsel !p3, $0x0, v19;
	v20 =	vpop (erf)  }
0xdb: {  	v18 =	vshll.u32 v18, $0x1;
	[tilespmem:$0x97F0] =	vst v19;
	v19 =	vpsel !p3, $0x0, v20  }
0xdc: {  	[tilespmem:$0x9880] =	vst v19;
	v19 =	vor.u32 $0x1, v17  }
0xdd: {  	v20 =	vld.idx.msk [tilespmem:v11+s25+$0x0], $0xffff  }
0xde: {  	v21 =	vor.u32 $0x1, v18;
	v17 =	vld.idx.msk [tilespmem:v17+s6+$0x0], $0xffff  }
0xdf: {  	v22 =	vld.idx.msk [tilespmem:v12+s25+$0x0], $0xffff  }
0xe0: {  	v18 =	vld.idx.msk [tilespmem:v18+s19+$0x0], $0xffff  }
0xe1: {  	v19 =	vld.idx.msk [tilespmem:v19+s6+$0x0], $0xffff;
	_ =	sdelay $0x1  }
0xe2: {  	v21 =	vld.idx.msk [tilespmem:v21+s19+$0x0], $0xffff  }
0xe3: {  	v20 =	vadd.f32 v17, v20;
	_ =	sdelay $0x1  }
0xe4: {  	v18 =	vadd.f32 v18, v20;
	v20 =	vadd.f32 v19, v22;
	_ =	sdelay $0x1  }
0xe5: {  	v22 =	vmul.f32 $2.000000030e-01, v18;
	v20 =	vadd.f32 v21, v20  }
0xe6: {  	vm2 =	vgt.f32 v18, $0.0e+00;
	v23 =	vmul.f32 $2.000000030e-01, v19;
	v21 =	vmul.f32 $2.000000030e-01, v17  }
0xe7: {  	v18 =	vsel vm2, v18, v22;
	vm2 =	vgt.f32 v17, $0.0e+00;
	v22 =	vmul.f32 $2.000000030e-01, v20  }
0xe8: {  	vm3 =	vgt.f32 v19, $0.0e+00;
	v17 =	vsel vm2, v17, v21;
	vm2 =	vgt.f32 v20, $0.0e+00  }
0xe9: {  	v19 =	vsel vm3, v19, v23;
	v17 =	vsub.f32 v18, v17;
	v18 =	vsel vm2, v20, v22  }
0xea: {  	v18 =	vsub.f32 v18, v19  }
0xeb: {  	v17 =	vmul.f32 $1.442695020e+00, v17  }
0xec: {  	v18 =	vmul.f32 $1.442695020e+00, v18  }
0xed: {  	(erf) = vpow2.f32 v17  }
0xee: {  	(erf) = vpow2.f32 v18;
	_ =	sdelay $0x2  }
0xef: {  	v17 =	vld [tilespmem:$0x4F10];
	_ =	sdelay $0x1  }
0xf0: {  	v18 =	vld [tilespmem:$0x4F90];
	_ =	sdelay $0x1  }
0xf1: {  	s20 =	sor.u32 $0x50, s7  }
0xf2: {  	p4 =	slt.u32 s20, $0x27100;
	v17 =	vshll.u32 v17, $0x1;
	v19 =	vpop (erf)  }
0xf3: {  	v19 =	vpsel !p4, $0x0, v19;
	v20 =	vpop (erf)  }
0xf4: {  	v18 =	vshll.u32 v18, $0x1;
	[tilespmem:$0x9800] =	vst v19;
	v19 =	vpsel !p4, $0x0, v20  }
0xf5: {  	[tilespmem:$0x9890] =	vst v19;
	v19 =	vor.u32 $0x1, v17  }
0xf6: {  	v20 =	vld.idx.msk [tilespmem:v13+s25+$0x0], $0xffff  }
0xf7: {  	v21 =	vor.u32 $0x1, v18;
	v17 =	vld.idx.msk [tilespmem:v17+s6+$0x0], $0xffff  }
0xf8: {  	v22 =	vld.idx.msk [tilespmem:v14+s25+$0x0], $0xffff  }
0xf9: {  	v18 =	vld.idx.msk [tilespmem:v18+s19+$0x0], $0xffff  }
0xfa: {  	v19 =	vld.idx.msk [tilespmem:v19+s6+$0x0], $0xffff;
	_ =	sdelay $0x1  }
0xfb: {  	v21 =	vld.idx.msk [tilespmem:v21+s19+$0x0], $0xffff  }
0xfc: {  	v20 =	vadd.f32 v17, v20;
	_ =	sdelay $0x1  }
0xfd: {  	v18 =	vadd.f32 v18, v20;
	v20 =	vadd.f32 v19, v22;
	_ =	sdelay $0x1  }
0xfe: {  	v22 =	vmul.f32 $2.000000030e-01, v18;
	v20 =	vadd.f32 v21, v20  }
0xff: {  	vm2 =	vgt.f32 v18, $0.0e+00;
	v23 =	vmul.f32 $2.000000030e-01, v19;
	v21 =	vmul.f32 $2.000000030e-01, v17  }
0x100: {  	v18 =	vsel vm2, v18, v22;
	vm2 =	vgt.f32 v17, $0.0e+00;
	v22 =	vmul.f32 $2.000000030e-01, v20  }
0x101: {  	vm3 =	vgt.f32 v19, $0.0e+00;
	v17 =	vsel vm2, v17, v21;
	vm2 =	vgt.f32 v20, $0.0e+00  }
0x102: {  	v19 =	vsel vm3, v19, v23;
	v17 =	vsub.f32 v18, v17;
	v18 =	vsel vm2, v20, v22  }
0x103: {  	v18 =	vsub.f32 v18, v19  }
0x104: {  	v17 =	vmul.f32 $1.442695020e+00, v17  }
0x105: {  	v18 =	vmul.f32 $1.442695020e+00, v18  }
0x106: {  	(erf) = vpow2.f32 v17  }
0x107: {  	(erf) = vpow2.f32 v18;
	_ =	sdelay $0x2  }
0x108: {  	v17 =	vld [tilespmem:$0x4F20];
	_ =	sdelay $0x1  }
0x109: {  	v18 =	vld [tilespmem:$0x4FA0];
	_ =	sdelay $0x1  }
0x10a: {  	s21 =	sor.u32 $0x60, s7  }
0x10b: {  	p5 =	slt.u32 s21, $0x27100;
	v17 =	vshll.u32 v17, $0x1;
	v19 =	vpop (erf)  }
0x10c: {  	v19 =	vpsel !p5, $0x0, v19;
	v20 =	vpop (erf)  }
0x10d: {  	v18 =	vshll.u32 v18, $0x1;
	[tilespmem:$0x9810] =	vst v19;
	v19 =	vpsel !p5, $0x0, v20  }
0x10e: {  	[tilespmem:$0x98A0] =	vst v19;
	v19 =	vor.u32 $0x1, v17  }
0x10f: {  	v20 =	vld.idx.msk [tilespmem:v15+s25+$0x0], $0xffff  }
0x110: {  	v21 =	vor.u32 $0x1, v18;
	v17 =	vld.idx.msk [tilespmem:v17+s6+$0x0], $0xffff  }
0x111: {  	v22 =	vld.idx.msk [tilespmem:v16+s25+$0x0], $0xffff  }
0x112: {  	v18 =	vld.idx.msk [tilespmem:v18+s19+$0x0], $0xffff  }
0x113: {  	v19 =	vld.idx.msk [tilespmem:v19+s6+$0x0], $0xffff;
	_ =	sdelay $0x1  }
0x114: {  	v21 =	vld.idx.msk [tilespmem:v21+s19+$0x0], $0xffff  }
0x115: {  	v20 =	vadd.f32 v17, v20;
	_ =	sdelay $0x1  }
0x116: {  	v18 =	vadd.f32 v18, v20;
	v20 =	vadd.f32 v19, v22;
	_ =	sdelay $0x1  }
0x117: {  	v22 =	vmul.f32 $2.000000030e-01, v18;
	v20 =	vadd.f32 v21, v20  }
0x118: {  	vm2 =	vgt.f32 v18, $0.0e+00;
	v23 =	vmul.f32 $2.000000030e-01, v19;
	v21 =	vmul.f32 $2.000000030e-01, v17  }
0x119: {  	v18 =	vsel vm2, v18, v22;
	vm2 =	vgt.f32 v17, $0.0e+00;
	v22 =	vmul.f32 $2.000000030e-01, v20  }
0x11a: {  	vm3 =	vgt.f32 v19, $0.0e+00;
	v17 =	vsel vm2, v17, v21;
	vm2 =	vgt.f32 v20, $0.0e+00  }
0x11b: {  	v17 =	vsub.f32 v18, v17;
	v18 =	vsel vm3, v19, v23;
	v20 =	vsel vm2, v20, v22  }
0x11c: {  	v18 =	vsub.f32 v20, v18  }
0x11d: {  	v17 =	vmul.f32 $1.442695020e+00, v17  }
0x11e: {  	v18 =	vmul.f32 $1.442695020e+00, v18  }
0x11f: {  	(erf) = vpow2.f32 v17  }
0x120: {  	(erf) = vpow2.f32 v18;
	_ =	sdelay $0x6  }
0x121: {  	s7 =	sor.u32 $0x70, s7  }
0x122: {  	p6 =	slt.u32 s7, $0x27100;
	v17 =	vpop (erf)  }
0x123: {  	v17 =	vpsel !p6, $0x0, v17;
	v18 =	vpop (erf)  }
0x124: {  	[tilespmem:$0x9820] =	vst v17;
	v17 =	vpsel !p6, $0x0, v18  }
0x125: {  	s17 =	simm.s32 $0x4FF0;
	[tilespmem:$0x98B0] =	vst v17  }
0x126: {  	v20 =	vld [tilespmem:s17+$0x10]  }
0x127: {  	v19 =	vld [tilespmem:s17+$0xFFFFFFC0]  }
0x128: {  	s22 =	sand.u32 $0x7F, s6;
	v27 =	vld [tilespmem:s17+$0x20]  }
0x129: {  	s20 =	simm.s32 $0x97B0;
	v18 =	vld.msk [tilespmem:s22+$0x9840 ss:$0x0], $0xffff  }
0x12a: {  	v17 =	vld [tilespmem:s20+$0x0]  }
0x12b: {  	v21 =	vld [tilespmem:s17+$0xFFFFFFF0]  }
0x12c: {  	v26 =	vld [tilespmem:s17+$0x30]  }
0x12d: {  	v22 =	vld [tilespmem:s17+$0x0]  }
0x12e: {  	v25 =	vld [tilespmem:s17+$0xFFFFFFD0]  }
0x12f: {  	v23 =	vld [tilespmem:s17+$0xFFFFFFE0]  }
0x130: {  	s21 =	simm.s32 $0x1;
	s7 =	simm.s32 $0x4FF0;
	v24 =	vbroadcast v17, $0x0;
	v27 =	vmul.f32 v27, v18  }
.LBB2_5:
0x131: {  	p0 =	sne.s32 s21, $0x7F;
	v20 =	vmul.f32 v20, v18;
	v26 =	vmul.f32 v26, v18;
	s20 =	sadd.s32 $0x1, s20;
	s17 =	sadd.s32 $0x90, s17  }
0x132: {  	s22 =	smov.u32 s21;
	s21 =	sadd.s32 $0x1, s21;
	v19 =	vmul.f32 v19, v24;
	v22 =	vmul.f32 v22, v18;
	[tilespmem:s7+$0x20] =	vst v27  }
0x133: {  	v21 =	vmul.f32 v21, v24;
	v25 =	vmul.f32 v25, v24;
	[tilespmem:s7+$0x10] =	vst v20  }
0x134: {  	[tilespmem:s7+$0xFFFFFFC0] =	vst v19;
	v23 =	vmul.f32 v23, v24  }
0x135: {  	[tilespmem:s7+$0xFFFFFFF0] =	vst v21  }
0x136: {  	v20 =	vld [tilespmem:s17+$0x10];
	[tilespmem:s7+$0xFFFFFFD0] =	vst v25  }
0x137: {  	v18 =	vnsel vm0, $0x0, v18;
	v19 =	vld [tilespmem:s17+$0xFFFFFFC0];
	[tilespmem:s7+$0x30] =	vst v26  }
0x138: {  	v17 =	vsel vm1, v17, v18;
	[tilespmem:s7+$0xFFFFFFE0] =	vst v23  }
0x139: {  	s22 =	sand.u32 $0x7F, s22;
	v21 =	vld [tilespmem:s17+$0xFFFFFFF0];
	[tilespmem:s7+$0x40] =	vst v17  }
0x13a: {  	v27 =	vld [tilespmem:s17+$0x20];
	[tilespmem:s7+$0x0] =	vst v22;
	s7 =	smov.u32 s17  }
0x13b: {  	v18 =	vld.msk [tilespmem:s22+$0x9840 ss:$0x0], $0xffff  }
0x13c: {  	v17 =	vld [tilespmem:s20+$0x0]  }
.Ltmp1:
0x13d: {  	v26 =	vld [tilespmem:s17+$0x30];
	(pc) =	sbr.rel @p0 .LBB2_5-.Ltmp1, $4  }
0x13e: {  	v22 =	vld [tilespmem:s17+$0x0]  }
0x13f: {  	v25 =	vld [tilespmem:s17+$0xFFFFFFD0]  }
0x140: {  	v23 =	vld [tilespmem:s17+$0xFFFFFFE0]  }
0x141: {  	v27 =	vmul.f32 v27, v18;
	v24 =	vbroadcast v17, $0x0  }
0x142: {  	v20 =	vmul.f32 v20, v18  }
0x143: {  	v19 =	vmul.f32 v19, v24;
	[tilespmem:s7+$0x20] =	vst v27  }
0x144: {  	v21 =	vmul.f32 v21, v24;
	[tilespmem:s7+$0x10] =	vst v20  }
0x145: {  	v62 =	vmul.f32 v25, v24;
	[tilespmem:s7+$0xFFFFFFC0] =	vst v19  }
0x146: {  	v19 =	vmul.f32 v26, v18;
	[tilespmem:s7+$0xFFFFFFF0] =	vst v21  }
0x147: {  	v63 =	vmul.f32 v23, v24;
	[tilespmem:s7+$0xFFFFFFD0] =	vst v62  }
0x148: {  	[tilespmem:s7+$0x30] =	vst v19;
	v19 =	vnsel vm0, $0x0, v18  }
0x149: {  	s5 =	sadd.s32 $0x1, s5;
	v18 =	vmul.f32 v22, v18;
	[tilespmem:s7+$0xFFFFFFE0] =	vst v63;
	v17 =	vsel vm1, v17, v19  }
0x14a: {  	p0 =	sne.s32 s5, $0x28;
	[tilespmem:s7+$0x40] =	vst v17  }
.Ltmp2:
0x14b: {  	[tilespmem:s7+$0x0] =	vst v18;
	(pc) =	sbr.rel @p0 .LBB2_4-.Ltmp2, $4  }
0x14c: {  	[spmem:s2] =	stream.indirect.scatter.add.f32 [tilespmem:s25], [sflag:$0x2], $0x90, s28, s30, $0xb8;
	[tilespmem:$0x1F860] =	vst v63  }
0x14d: {  	_ =	swait.ge [sflag:s18], $0x4800  }
0x14e: {  	[sflag:s18] =	ssyncset.done $0x0  }
0x14f: {  	[sflag:s18] =	ssyncadd.s32 $0xFFFFB800  }
0x150: {  	[bflag:$0x0] =	sbarrier.arrive $0xFFFF  }
0x151: {  	[tilespmem:s25], [sflag:$0x2] =	stream.linear.gather [spmem:s10], $0x4800, $0x38;
	[tilespmem:$0x1F860] =	vst v63  }
0x152: {  	_ =	swait.ge [sflag:s18], $0x4800  }
0x153: {  	[sflag:s18] =	ssyncset.done $0x0  }
0x154: {  	s5 =	rddreg [dreg:$0x7];
	[sflag:s18] =	ssyncadd.s32 $0xFFFFB800  }
0x155: {  	[hbm4b:s5+s3] =	stream.linear.scatter [tilespmem:s25], [sflag:$0x2], $0x4800, $0x38;
	[tilespmem:$0x1F860] =	vst v63  }
0x156: {  	_ =	swait.ge [sflag:s18], $0x4800  }
0x157: {  	[sflag:s18] =	ssyncset.done $0x0  }
0x158: {  	[sflag:s18] =	ssyncadd.s32 $0xFFFFB800  }
0x159: {  	[tilespmem:s25], [sflag:$0x2] =	stream.linear.gather [spmem:s11], $0x4800, $0x38;
	[tilespmem:$0x1F860] =	vst v63  }
0x15a: {  	_ =	swait.ge [sflag:s18], $0x4800  }
0x15b: {  	[sflag:s18] =	ssyncset.done $0x0  }
0x15c: {  	s20 =	rddreg [dreg:$0x8];
	[sflag:s18] =	ssyncadd.s32 $0xFFFFB800  }
0x15d: {  	[hbm4b:s20+s3] =	stream.linear.scatter [tilespmem:s25], [sflag:$0x2], $0x4800, $0x38;
	[tilespmem:$0x1F860] =	vst v63  }
0x15e: {  	_ =	swait.ge [sflag:s18], $0x4800  }
0x15f: {  	[sflag:s18] =	ssyncset.done $0x0  }
0x160: {  	[sflag:s18] =	ssyncadd.s32 $0xFFFFB800  }
0x161: {  	[tilespmem:s25], [sflag:$0x2] =	stream.linear.gather [spmem:s12], $0x4800, $0x38;
	[tilespmem:$0x1F860] =	vst v63  }
0x162: {  	_ =	swait.ge [sflag:s18], $0x4800  }
0x163: {  	[sflag:s18] =	ssyncset.done $0x0  }
0x164: {  	s21 =	rddreg [dreg:$0x9];
	[sflag:s18] =	ssyncadd.s32 $0xFFFFB800  }
0x165: {  	[hbm4b:s21+s3] =	stream.linear.scatter [tilespmem:s25], [sflag:$0x2], $0x4800, $0x38;
	[tilespmem:$0x1F860] =	vst v63  }
0x166: {  	_ =	swait.ge [sflag:s18], $0x4800  }
0x167: {  	[sflag:s18] =	ssyncset.done $0x0  }
0x168: {  	[sflag:s18] =	ssyncadd.s32 $0xFFFFB800  }
0x169: {  	[tilespmem:s25], [sflag:$0x2] =	stream.linear.gather [spmem:s14], $0x4800, $0x38;
	[tilespmem:$0x1F860] =	vst v63  }
0x16a: {  	_ =	swait.ge [sflag:s18], $0x4800  }
0x16b: {  	[sflag:s18] =	ssyncset.done $0x0  }
0x16c: {  	[sflag:s18] =	ssyncadd.s32 $0xFFFFB800  }
0x16d: {  	[hbm4b:s23+s3] =	stream.linear.scatter [tilespmem:s25], [sflag:$0x2], $0x4800, $0x38;
	[tilespmem:$0x1F860] =	vst v63  }
0x16e: {  	_ =	swait.ge [sflag:s18], $0x4800  }
0x16f: {  	[sflag:s18] =	ssyncset.done $0x0  }
0x170: {  	[sflag:s18] =	ssyncadd.s32 $0xFFFFB800  }
0x171: {  	[tilespmem:s25], [sflag:$0x2] =	stream.linear.gather [spmem:s15], $0x3F90, $0x38;
	[tilespmem:$0x1F860] =	vst v63  }
0x172: {  	_ =	swait.ge [sflag:s18], $0x3F90  }
0x173: {  	[sflag:s18] =	ssyncset.done $0x0  }
0x174: {  	[sflag:s18] =	ssyncadd.s32 $0xFFFFC070  }
0x175: {  	[hbm4b:s24+s3] =	stream.linear.scatter [tilespmem:s25], [sflag:$0x2], $0x3F90, $0x38;
	[tilespmem:$0x1F860] =	vst v63  }
0x176: {  	_ =	swait.ge [sflag:s18], $0x3F90  }
0x177: {  	s0 =	sadd.s32 $0x1, s0;
	s22 =	rddreg [dreg:$0x6]  }
0x178: {  	p0 =	sne.s32 s0, s22  }
.Ltmp3:
0x179: {  	_ = 	snop;
	(pc) =	sbr.rel @p0 .LBB2_1-.Ltmp3, $3  }
0x17a: {  	_ =	sdelay $0x1  }
0x17b: {  	[sflag:s18] =	ssyncset.done $0x0  }
0x17c: {  	[sflag:s18] =	ssyncadd.s32 $0xFFFFC070  }
0x17d: {  	_ =	sfence.sel $0x180000  }
0x17e: {  	[bflag:$0x0] =	sbarrier.arrive $0xFFFF  }
0x17f: {  	_ =	strace $0x90000047  }
0x180: {  	s0 =	stileid.u32;
	[bflag:$0x2] =	sbarrier.arrive $0xFFFF  }
0x181: {  	p0 =	sne.s32 s0, $0x0;
	s0 =	rddreg [dreg:$0x3]  }
0x182: {  	s0 =	sadd.s32 @!p0 $0x100000, s0  }
0x183: {  	[sflag:s0] =	ssyncadd.tile.s32 @!p0 $0x1;
	_ =	shalt  }
.Lfunc_end2:
_tile_overlayer_lowered:
.L_overlay_start_2:
0x184: {  	(tag) =	ssettag $0x2  }
0x185: {  	s0 =	rddreg [dreg:$0x0];
	s2 =	stileid.u32  }
0x186: {  	s1 =	rddreg [dreg:$0x1];
	p0 =	sne.s32 s2, $0x0  }
0x187: {  	s3 =	rddreg [dreg:$0x2];
	[bflag:$0x3] =	sbarrier.arrive $0xFFFF;
	s2 =	simm.s32 @!p0 $0x1C02  }
0x188: {  	[timem:s3], [sflag:s2] =	dma.local @!p0 [hbm:s0], s1  }
0x189: {  	s0 =	simm.s32 @!p0 $0x2  }
0x18a: {  	_ =	swait.ge @!p0 [sflag:s0], s1  }
0x18b: {  	s1 =	ssub.s32 @!p0 $0x0, s1;
	[sflag:s0] =	ssyncset.done @!p0 $0x0  }
0x18c: {  	[sflag:s0] =	ssyncadd.s32 @!p0 s1  }
0x18d: {  	[bflag:$0x3] =	sbarrier.arrive $0xFFFF  }
0x18e: {  	_ =	shalt  }

</sc_bundles>
